<compile_context>
chip_gen: v7x
topology: tpu7x:2x2x1
jax: 0.10.2.dev20260603
libtpu: 0.0.44.dev20260713+nightly
codegen_flags: <defaults>
</compile_context>

<pallas_src>
import functools

import jax
import jax.numpy as jnp
from jax import lax
from jax.experimental import pallas as pl
from jax.experimental.pallas import tpu as pltpu
from jax.experimental.pallas import tpu_sc as plsc

_EPS = 1e-05
_THR = 0.5
_NCLS = 4
_BPC = 512
_NB = (_NCLS - 1) * _BPC
_SENT = 2 ** 20
_BIG = 2 ** 30
_TILE = 2048
_RT = 1024
_NW = 32
_L = 16


def _bucket_body(px0, py0, px1, py1, plab, gx0, gy0, gx1, gy1, glab, bout):
    a2 = (px1[...] - px0[...]) * (py1[...] - py0[...])
    a1 = (gx1[...] - gx0[...]) * (gy1[...] - gy0[...])
    ltx = jnp.maximum(gx0[...], px0[...])
    lty = jnp.maximum(gy0[...], py0[...])
    rbx = jnp.minimum(gx1[...], px1[...])
    rby = jnp.minimum(gy1[...], py1[...])
    wx = jnp.clip(rbx - ltx, 0.0, None)
    wy = jnp.clip(rby - lty, 0.0, None)
    inter = wx * wy
    union = a1 + a2 - inter
    iou = inter / union
    match = glab[...] == plab[...].astype(jnp.float32)
    iou_m = jnp.where(match, iou, -jnp.inf)
    m = jnp.max(iou_m, axis=0, keepdims=True)
    anym = m > _THR
    gp = iou_m.shape[0]
    rowi = jax.lax.broadcasted_iota(jnp.int32, iou_m.shape, 0)
    gstar = jnp.min(jnp.where(iou_m == m, rowi, gp), axis=0, keepdims=True)
    j = jnp.sum(((iou_m > _THR) & (rowi < gstar)).astype(jnp.int32),
                axis=0, keepdims=True)
    bout[...] = jnp.where(anym, (plab[...] - 1) * _BPC + j,
                          jnp.int32(_SENT))


def _sc_scatter_body(buck_hbm, prob_hbm, bmax_hbm, bidx_hbm,
                     buckv, probv, bmaxt, bidxt):
    chunk = buckv.shape[0]
    wid = lax.axis_index("s") * 2 + lax.axis_index("c")
    base = wid * chunk
    pltpu.sync_copy(buck_hbm.at[pl.ds(base, chunk)], buckv)
    pltpu.sync_copy(prob_hbm.at[pl.ds(base, chunk)], probv)

    def initb(i, carry):
        bmaxt[pl.ds(i * _L, _L)] = jnp.full((_L,), -1.0, jnp.float32)
        bidxt[pl.ds(i * _L, _L)] = jnp.full((_L,), _BIG, jnp.int32)
        return carry

    lax.fori_loop(0, _NB // _L, initb, 0)

    def pass1(i, carry):
        vb = buckv[pl.ds(i * _L, _L)]
        vp = probv[pl.ds(i * _L, _L)]
        elig = vb < _NB
        vbc = jnp.where(elig, vb, 0)

        def cond(act):
            return jnp.max(act) > 0

        def body(act):
            cur = plsc.load_gather(bmaxt, [vbc])
            win = (act > 0) & (vp > cur)
            plsc.store_scatter(bmaxt, [vbc], vp, mask=win)
            cur2 = plsc.load_gather(bmaxt, [vbc])
            return ((act > 0) & (vp > cur2)).astype(jnp.int32)

        lax.while_loop(cond, body, elig.astype(jnp.int32))
        return carry

    lax.fori_loop(0, chunk // _L, pass1, 0)

    def pass2(i, carry):
        vb = buckv[pl.ds(i * _L, _L)]
        vp = probv[pl.ds(i * _L, _L)]
        elig = vb < _NB
        vbc = jnp.where(elig, vb, 0)
        gmax = plsc.load_gather(bmaxt, [vbc])
        eq = elig & (vp == gmax)
        vidx = lax.iota(jnp.int32, _L) + (base + i * _L)

        def cond(act):
            return jnp.max(act) > 0

        def body(act):
            cur = plsc.load_gather(bidxt, [vbc])
            win = (act > 0) & (vidx < cur)
            plsc.store_scatter(bidxt, [vbc], vidx, mask=win)
            cur2 = plsc.load_gather(bidxt, [vbc])
            return ((act > 0) & (vidx < cur2)).astype(jnp.int32)

        lax.while_loop(cond, body, eq.astype(jnp.int32))
        return carry

    lax.fori_loop(0, chunk // _L, pass2, 0)

    pltpu.sync_copy(bmaxt, bmax_hbm.at[wid])
    pltpu.sync_copy(bidxt, bidx_hbm.at[wid])


def _final_body(prob, lab, glab, bmax32, bidx32, out):
    npad = prob.shape[0]
    nrt = npad // _RT

    bmaxs, bidxs = [], []
    for c in (1, 2, 3):
        bm = bmax32[:, (c - 1) * _BPC:c * _BPC]
        bx = bidx32[:, (c - 1) * _BPC:c * _BPC]
        m = jnp.max(bm, axis=0, keepdims=True)
        bmaxs.append(m)
        bidxs.append(jnp.min(jnp.where(bm == m, bx, _BIG),
                             axis=0, keepdims=True))

    def p3(i, carry):
        acc1, acc2, acc3, np1, np2, np3 = carry
        pb = prob[pl.ds(i * _RT, _RT), :]
        lb = lab[pl.ds(i * _RT, _RT), :]
        ridx = jax.lax.broadcasted_iota(jnp.int32, (_RT, 1), 0) + i * _RT

        def one(c, acc):
            kc = jnp.where(lb == c, pb, -1.0)
            ahead = (kc > bmaxs[c - 1]) | ((kc == bmaxs[c - 1])
                                           & (ridx < bidxs[c - 1]))
            return acc + jnp.sum(ahead.astype(jnp.int32),
                                 axis=0, keepdims=True)

        acc1 = one(1, acc1)
        acc2 = one(2, acc2)
        acc3 = one(3, acc3)
        np1 = np1 + jnp.sum((lb == 1).astype(jnp.int32))
        np2 = np2 + jnp.sum((lb == 2).astype(jnp.int32))
        np3 = np3 + jnp.sum((lb == 3).astype(jnp.int32))
        return acc1, acc2, acc3, np1, np2, np3

    zero = jnp.int32(0)
    zrow = jnp.zeros((1, _BPC), jnp.int32)
    rk1, rk2, rk3, np1, np2, np3 = jax.lax.fori_loop(
        0, nrt, p3, (zrow, zrow, zrow, zero, zero, zero))
    rks = [jnp.where(bidxs[c - 1] == _BIG, _BIG, rk)
           for c, rk in ((1, rk1), (2, rk2), (3, rk3))]

    g = glab[...]
    ng1 = jnp.sum((g == 1.0).astype(jnp.float32))
    ng2 = jnp.sum((g == 2.0).astype(jnp.float32))
    ng3 = jnp.sum((g == 3.0).astype(jnp.float32))

    def p4(i, carry):
        s1, s2, s3 = carry
        i0 = jax.lax.broadcasted_iota(jnp.int32, (_RT, 1), 0) + i * _RT

        def one(c, ngc, npc):
            t = jnp.sum((rks[c - 1] <= i0).astype(jnp.float32),
                        axis=1, keepdims=True)
            fpc = (i0 + 1).astype(jnp.float32) - t
            prec = t / (t + fpc + _EPS)
            rec = fpc / (ngc + _EPS)
            ratio = jnp.where(i0 < npc, prec / rec, 0.0)
            return jnp.sum(ratio)

        s1 = s1 + one(1, ng1, np1)
        s2 = s2 + one(2, ng2, np2)
        s3 = s3 + one(3, ng3, np3)
        return s1, s2, s3

    zf = jnp.float32(0.0)
    maxnp = jnp.maximum(np1, jnp.maximum(np2, np3))
    nrt4 = jnp.minimum((maxnp + _RT - 1) // _RT, nrt)
    s1, s2, s3 = jax.lax.fori_loop(0, nrt4, p4, (zf, zf, zf))

    def ap_of(s, npc, ngc):
        empty = jnp.logical_or(npc == 0, ngc == 0.0)
        return jnp.where(empty, 0.0, s / npc.astype(jnp.float32))

    a1 = ap_of(s1, np1, ng1)
    a2 = ap_of(s2, np2, ng2)
    a3 = ap_of(s3, np3, ng3)
    out[...] = ((a1 + a2 + a3) / 3.0) + jnp.zeros((1, 1), jnp.float32)


def kernel(class_probits, pred_boxes, pred_labels, gt):
    n = pred_boxes.shape[0]
    gt2 = jnp.squeeze(gt, axis=0)
    g = gt2.shape[0]
    npad = ((n + _TILE - 1) // _TILE) * _TILE
    gpad = ((g + 511) // 512) * 512

    def prow(x):
        return jnp.pad(x, (0, npad - n)).reshape(1, npad)

    def gcol(x, fill=0.0):
        return jnp.pad(x, (0, gpad - g), constant_values=fill).reshape(gpad, 1)

    px0 = prow(pred_boxes[:, 0])
    py0 = prow(pred_boxes[:, 1])
    px1 = prow(pred_boxes[:, 2])
    py1 = prow(pred_boxes[:, 3])
    plab = prow(pred_labels.astype(jnp.int32))
    gx0 = gcol(gt2[:, 1])
    gy0 = gcol(gt2[:, 2])
    gx1 = gcol(gt2[:, 3])
    gy1 = gcol(gt2[:, 4])
    glab = gcol(gt2[:, 0], fill=-1.0)

    grid = npad // _TILE
    pspec = pl.BlockSpec((1, _TILE), lambda i: (0, i))
    gspec = pl.BlockSpec((gpad, 1), lambda i: (0, 0))
    bucket = pl.pallas_call(
        _bucket_body,
        grid=(grid,),
        in_specs=[pspec] * 5 + [gspec] * 5,
        out_specs=pspec,
        out_shape=jax.ShapeDtypeStruct((1, npad), jnp.int32),
    )(px0, py0, px1, py1, plab, gx0, gy0, gx1, gy1, glab)

    prob_flat = jnp.pad(class_probits, (0, npad - n))
    chunk = npad // _NW

    sc_scatter = functools.partial(
        pl.kernel,
        mesh=plsc.VectorSubcoreMesh(core_axis_name="c", subcore_axis_name="s"),
        compiler_params=pltpu.CompilerParams(needs_layout_passes=False),
        out_type=[jax.ShapeDtypeStruct((_NW, _NB), jnp.float32),
                  jax.ShapeDtypeStruct((_NW, _NB), jnp.int32)],
        scratch_types=[pltpu.VMEM((chunk,), jnp.int32),
                       pltpu.VMEM((chunk,), jnp.float32),
                       pltpu.VMEM((_NB,), jnp.float32),
                       pltpu.VMEM((_NB,), jnp.int32)],
    )(_sc_scatter_body)
    bmax32, bidx32 = sc_scatter(bucket.reshape(npad), prob_flat)

    prob_col = prob_flat.reshape(npad, 1)
    lab_col = plab.reshape(npad, 1)

    out = pl.pallas_call(
        _final_body,
        in_specs=[pl.BlockSpec(x.shape, lambda: (0,) * x.ndim)
                  for x in (prob_col, lab_col, glab, bmax32, bidx32)],
        out_specs=pl.BlockSpec((1, 1), lambda: (0, 0)),
        out_shape=jax.ShapeDtypeStruct((1, 1), jnp.float32),
    )(prob_col, lab_col, glab, bmax32, bidx32)
    return out[0, 0]

# --- scband reference (transcript-rebuilt; emitter-appended) ---
"""Pipeline reference for scband-m-ap-18167711662362 (READ-ONLY COPY).

The authoritative reference and input builder live on the scoring server;
editing this copy changes nothing except your own understanding.
"""

import jax, jax.numpy as jnp
import numpy as np

N = 20000
G = 500
NUM_CLASSES = 4
EPS = 1e-05
IOU_THRESH = 0.5


def _make_boxes(key, n):
    k1, k2 = jax.random.split(key)
    tl = jax.random.uniform(k1, (n, 2)) * 0.8
    wh = jax.random.uniform(k2, (n, 2)) * 0.2 + 0.01
    return jnp.concatenate([tl, tl + wh], axis=1)


def setup_inputs(seed: int = 0) -> dict:
    key = jax.random.key(seed)
    k = jax.random.split(key, 5)
    class_probits = jax.random.uniform(k[0], (N,), dtype=jnp.float32)
    pred_boxes = _make_boxes(k[1], N)
    pred_labels = jax.random.randint(k[2], (N,), 0, NUM_CLASSES)
    gt_labels = jax.random.randint(k[3], (G,), 1, NUM_CLASSES).astype(jnp.float32)
    gt_boxes = _make_boxes(k[4], G)
    gt = jnp.concatenate([gt_labels[:, None], gt_boxes], axis=1)[None]
    return {"class_probits": class_probits, "pred_boxes": pred_boxes, "pred_labels": pred_labels, "gt": gt}


def box_iou(boxes1, boxes2):
    area1 = (boxes1[:, 2] - boxes1[:, 0]) * (boxes1[:, 3] - boxes1[:, 1])
    area2 = (boxes2[:, 2] - boxes2[:, 0]) * (boxes2[:, 3] - boxes2[:, 1])
    lt = jnp.maximum(boxes1[:, None, :2], boxes2[None, :, :2])
    rb = jnp.minimum(boxes1[:, None, 2:], boxes2[None, :, 2:])
    wh = jnp.clip(rb - lt, 0.0, None)
    inter = wh[..., 0] * wh[..., 1]
    union = area1[:, None] + area2[None, :] - inter
    return inter / union


def _match_scan(iou, valid_p):
    # Greedy sequential matching over sorted predictions, faithfully reproducing
    # the original code, including the subset-index bug: the argmax index into
    # the filtered gt list is used directly as an index into gt_matched.
    g = iou.shape[0]
    gidx = jnp.arange(g)

    def step(gt_matched, xs):
        col, valid = xs
        mask = col > IOU_THRESH
        any_match = jnp.any(mask)
        masked = jnp.where(mask, col, -jnp.inf)
        g_star = jnp.argmax(masked)
        # position of g_star within the filtered (where) array == subset index used by torch code
        j = jnp.sum(jnp.logical_and(mask, gidx < g_star))
        already = gt_matched[j]
        is_tp = jnp.logical_and(valid, jnp.logical_and(any_match, jnp.logical_not(already)))
        tp = jnp.where(is_tp, 1.0, 0.0).astype(jnp.float32)
        fp = jnp.where(valid, 1.0 - tp, 0.0).astype(jnp.float32)
        new_matched = jnp.where(is_tp, gt_matched.at[j].set(True), gt_matched)
        return new_matched, (tp, fp)

    init = jnp.zeros((g,), dtype=bool)
    _, (tp, fp) = jax.lax.scan(step, init, (jnp.transpose(iou), valid_p))
    return tp, fp


def reference(class_probits, pred_boxes, pred_labels, gt):
    gt = jnp.squeeze(gt, axis=0)
    gt_labels = gt[:, 0]
    gt_boxes = gt[:, 1:]
    n_pred = pred_boxes.shape[0]
    n_gt = gt_boxes.shape[0]
    aps = []
    for c in range(1, NUM_CLASSES):
        pred_mask = pred_labels == c
        gt_mask = gt_labels == c
        n_p = jnp.sum(pred_mask)
        n_g = jnp.sum(gt_mask)
        order = jnp.argsort(jnp.where(pred_mask, -class_probits, jnp.inf))
        pb = pred_boxes[order]
        valid_p = jnp.arange(n_pred) < n_p
        gt_idx = jnp.nonzero(gt_mask, size=n_gt, fill_value=0)[0]
        gb = gt_boxes[gt_idx]
        valid_g = jnp.arange(n_gt) < n_g
        iou = box_iou(gb, pb)
        iou = jnp.where(valid_g[:, None], iou, -jnp.inf)
        tp, fp = _match_scan(iou, valid_p)
        tp_c = jnp.cumsum(tp)
        fp_c = jnp.cumsum(fp)
        precision = tp_c / (tp_c + fp_c + EPS)
        recall = fp_c / (n_g.astype(jnp.float32) + EPS)  # faithful: original uses fp_cumsum here
        ratio = jnp.where(valid_p, precision / recall, 0.0)
        ap = jnp.sum(ratio) / n_p.astype(jnp.float32)
        empty = jnp.logical_or(n_p == 0, n_g == 0)
        aps.append(jnp.where(empty, jnp.asarray(0.0, dtype=jnp.float32), ap))
    return jnp.mean(jnp.stack(aps))

if __name__ == "__main__":
    import jax
    _d = setup_inputs()
    print(jax.jit(kernel)(*tuple(_d.values())))

</pallas_src>

<mosaic_0001>
#map = affine_map<(d0, d1) -> (0)>
#map1 = affine_map<(d0, d1) -> (0, 0)>
module attributes {stable_mosaic.version = 14 : i64} {
  func.func @_sc_scatter_body(%arg0: i32, %arg1: i32, %arg2: memref<20480xi32, #tpu.memory_space<hbm>>, %arg3: memref<20480xf32, #tpu.memory_space<hbm>>, %arg4: memref<32x1536xf32, #tpu.memory_space<hbm>>, %arg5: memref<32x1536xi32, #tpu.memory_space<hbm>>, %arg6: memref<640xi32, #tpu.memory_space<vmem>>, %arg7: memref<640xf32, #tpu.memory_space<vmem>>, %arg8: memref<1536xf32, #tpu.memory_space<vmem>>, %arg9: memref<1536xi32, #tpu.memory_space<vmem>>) attributes {dimension_semantics = [#tpu.dimension_semantics<core_parallel>, #tpu.dimension_semantics<subcore_parallel>], iteration_bounds = array<i64: 2, 16>, scalar_prefetch = 0 : i64, scratch_operands = 4 : i64, tpu.core_type = #tpu.core_type<sc_vector_subcore>, window_params = [{transform_indices = #map}, {transform_indices = #map}, {transform_indices = #map1}, {transform_indices = #map1}]} {
    %mul3A = arith.constant 2 : i32
    %mul3A_0 = arith.muli %arg1, %mul3A : i32
    %add3A = arith.addi %mul3A_0, %arg0 : i32
    %mul3A_1 = arith.constant 640 : i32
    %mul3A_2 = arith.muli %add3A, %mul3A_1 : i32
    "tpu.region"() ({
      %run_scoped3A = tpu.sem_alloc : memref<!tpu.dma_semaphore, #tpu.memory_space<semaphore_mem>>
      %dma_start3A = tpu.memref_slice %arg2[%mul3A_2] : memref<20480xi32, #tpu.memory_space<hbm>> -> memref<640xi32, #tpu.memory_space<hbm>>
      %dma_start3A_20 = tpu.memref_slice %arg2[%mul3A_2] : memref<20480xi32, #tpu.memory_space<hbm>> -> memref<640xi32, #tpu.memory_space<hbm>>
      tpu.enqueue_dma source(%dma_start3A_20 : memref<640xi32, #tpu.memory_space<hbm>>) target(%arg6 : memref<640xi32, #tpu.memory_space<vmem>>) target_semaphore(%run_scoped3A : memref<!tpu.dma_semaphore, #tpu.memory_space<semaphore_mem>>)
      %dma_wait3A = tpu.memref_slice %arg2[%mul3A_2] : memref<20480xi32, #tpu.memory_space<hbm>> -> memref<640xi32, #tpu.memory_space<hbm>>
      %dma_wait3A_21 = tpu.memref_slice %arg2[%mul3A_2] : memref<20480xi32, #tpu.memory_space<hbm>> -> memref<640xi32, #tpu.memory_space<hbm>>
      tpu.wait_dma2 semaphore(%run_scoped3A : memref<!tpu.dma_semaphore, #tpu.memory_space<semaphore_mem>>) src(%dma_wait3A_21 : memref<640xi32, #tpu.memory_space<hbm>>) dst(%arg6 : memref<640xi32, #tpu.memory_space<vmem>>)
      tpu.yield
    }) : () -> ()
    "tpu.region"() ({
      %run_scoped3A = tpu.sem_alloc : memref<!tpu.dma_semaphore, #tpu.memory_space<semaphore_mem>>
      %dma_start3A = tpu.memref_slice %arg3[%mul3A_2] : memref<20480xf32, #tpu.memory_space<hbm>> -> memref<640xf32, #tpu.memory_space<hbm>>
      %dma_start3A_20 = tpu.memref_slice %arg3[%mul3A_2] : memref<20480xf32, #tpu.memory_space<hbm>> -> memref<640xf32, #tpu.memory_space<hbm>>
      tpu.enqueue_dma source(%dma_start3A_20 : memref<640xf32, #tpu.memory_space<hbm>>) target(%arg7 : memref<640xf32, #tpu.memory_space<vmem>>) target_semaphore(%run_scoped3A : memref<!tpu.dma_semaphore, #tpu.memory_space<semaphore_mem>>)
      %dma_wait3A = tpu.memref_slice %arg3[%mul3A_2] : memref<20480xf32, #tpu.memory_space<hbm>> -> memref<640xf32, #tpu.memory_space<hbm>>
      %dma_wait3A_21 = tpu.memref_slice %arg3[%mul3A_2] : memref<20480xf32, #tpu.memory_space<hbm>> -> memref<640xf32, #tpu.memory_space<hbm>>
      tpu.wait_dma2 semaphore(%run_scoped3A : memref<!tpu.dma_semaphore, #tpu.memory_space<semaphore_mem>>) src(%dma_wait3A_21 : memref<640xf32, #tpu.memory_space<hbm>>) dst(%arg7 : memref<640xf32, #tpu.memory_space<vmem>>)
      tpu.yield
    }) : () -> ()
    %scan3A = arith.constant 0 : i32
    %scan3A_3 = arith.constant 0 : i32
    %scan3A_4 = arith.constant 96 : i32
    %scan3A_5 = arith.addi %scan3A_3, %scan3A_4 : i32
    %scan3A_6 = arith.constant 1 : i32
    scf.for %scan3A_20 = %scan3A_3 to %scan3A_5 step %scan3A_6  : i32 {
      %broadcast_in_dim3A = arith.constant -1.000000e+00 : f32
      %broadcast_in_dim3A_21 = vector.broadcast %broadcast_in_dim3A : f32 to vector<16xf32>
      %mul3A_22 = arith.constant 16 : i32
      %mul3A_23 = arith.muli %scan3A_20, %mul3A_22 : i32
      %swap3A = arith.index_cast %mul3A_23 : i32 to index
      %swap3A_24 = tpu.vector_load %arg8[%swap3A] {strides = array<i32>} : memref<1536xf32, #tpu.memory_space<vmem>>, vector<16xf32>,
      tpu.vector_store %arg8[%swap3A], %broadcast_in_dim3A_21 {strides = array<i32>} : memref<1536xf32, #tpu.memory_space<vmem>>, vector<16xf32>,
      %broadcast_in_dim3A_25 = arith.constant 1073741824 : i32
      %broadcast_in_dim3A_26 = vector.broadcast %broadcast_in_dim3A_25 : i32 to vector<16xi32>
      %mul3A_27 = arith.constant 16 : i32
      %mul3A_28 = arith.muli %scan3A_20, %mul3A_27 : i32
      %swap3A_29 = arith.index_cast %mul3A_28 : i32 to index
      %swap3A_30 = tpu.vector_load %arg9[%swap3A_29] {strides = array<i32>} : memref<1536xi32, #tpu.memory_space<vmem>>, vector<16xi32>,
      tpu.vector_store %arg9[%swap3A_29], %broadcast_in_dim3A_26 {strides = array<i32>} : memref<1536xi32, #tpu.memory_space<vmem>>, vector<16xi32>,
    }
    %scan3A_7 = arith.constant 96 : i32
    %scan3A_8 = arith.constant 0 : i32
    %scan3A_9 = arith.constant 0 : i32
    %scan3A_10 = arith.constant 40 : i32
    %scan3A_11 = arith.addi %scan3A_9, %scan3A_10 : i32
    %scan3A_12 = arith.constant 1 : i32
    scf.for %scan3A_20 = %scan3A_9 to %scan3A_11 step %scan3A_12  : i32 {
      %mul3A_21 = arith.constant 16 : i32
      %mul3A_22 = arith.muli %scan3A_20, %mul3A_21 : i32
      %get3A = arith.index_cast %mul3A_22 : i32 to index
      %get3A_23 = tpu.vector_load %arg6[%get3A] {strides = array<i32>} : memref<640xi32, #tpu.memory_space<vmem>>, vector<16xi32>,
      %mul3A_24 = arith.constant 16 : i32
      %mul3A_25 = arith.muli %scan3A_20, %mul3A_24 : i32
      %get3A_26 = arith.index_cast %mul3A_25 : i32 to index
      %get3A_27 = tpu.vector_load %arg7[%get3A_26] {strides = array<i32>} : memref<640xf32, #tpu.memory_space<vmem>>, vector<16xf32>,
      %lt3A = arith.constant 1536 : i32
      %lt3A_28 = vector.broadcast %lt3A : i32 to vector<16xi32>
      %lt3A_29 = arith.cmpi slt, %get3A_23, %lt3A_28 : vector<16xi32>
      %jit3A = arith.constant 0 : i32
      %broadcast_in_dim3A = vector.broadcast %jit3A : i32 to vector<16xi32>
      %select_n3A = arith.select %lt3A_29, %get3A_23, %broadcast_in_dim3A : vector<16xi1>, vector<16xi32>
      %convert_element_type3A = arith.extui %lt3A_29 : vector<16xi1> to vector<16xi32>
      %while3A = scf.while (%while3A_30 = %convert_element_type3A) : (vector<16xi32>) -> vector<16xi32> {
        %reduce_max3A = arith.constant true
        %reduce_max3A_31 = vector.broadcast %reduce_max3A : i1 to vector<16xi1>
        %reduce_max3A_32 = arith.constant -2147483648 : i32
        %reduce_max3A_33 = vector.broadcast %reduce_max3A_32 : i32 to vector<16xi32>
        %reduce_max3A_34 = arith.xori %while3A_30, %reduce_max3A_33 : vector<16xi32>
        %reduce_max3A_35 = tpu.scan <max>, %reduce_max3A_34 masked %reduce_max3A_31 : vector<16xi32>, vector<16xi1> -> vector<16xi32>
        %reduce_max3A_36 = arith.xori %reduce_max3A_35, %reduce_max3A_33 : vector<16xi32>
        %reduce_max3A_37 = vector.extract %reduce_max3A_36[15] : i32 from vector<16xi32>
        %gt3A = arith.constant 0 : i32
        %gt3A_38 = arith.cmpi sgt, %reduce_max3A_37, %gt3A : i32
        scf.condition(%gt3A_38) %while3A_30 : vector<16xi32>
      } do {
      ^bb0(%while3A_30: vector<16xi32>):
        %gather3A = tpu.vector_load_idx %arg8[%select_n3A] : memref<1536xf32, #tpu.memory_space<vmem>>[vector<16xi32>], vector<16xf32>,
        %gt3A = arith.constant 0 : i32
        %gt3A_31 = vector.broadcast %gt3A : i32 to vector<16xi32>
        %gt3A_32 = arith.cmpi sgt, %while3A_30, %gt3A_31 : vector<16xi32>
        %gt3A_33 = arith.cmpf ogt, %get3A_27, %gather3A : vector<16xf32>
        %and3A = arith.andi %gt3A_32, %gt3A_33 : vector<16xi1>
        tpu.vector_store_idx %arg8[%select_n3A], %get3A_27 masked %and3A : memref<1536xf32, #tpu.memory_space<vmem>>[vector<16xi32>], vector<16xf32>, vector<16xi1>
        %gather3A_34 = tpu.vector_load_idx %arg8[%select_n3A] : memref<1536xf32, #tpu.memory_space<vmem>>[vector<16xi32>], vector<16xf32>,
        %gt3A_35 = arith.constant 0 : i32
        %gt3A_36 = vector.broadcast %gt3A_35 : i32 to vector<16xi32>
        %gt3A_37 = arith.cmpi sgt, %while3A_30, %gt3A_36 : vector<16xi32>
        %gt3A_38 = arith.cmpf ogt, %get3A_27, %gather3A_34 : vector<16xf32>
        %and3A_39 = arith.andi %gt3A_37, %gt3A_38 : vector<16xi1>
        %convert_element_type3A_40 = arith.extui %and3A_39 : vector<16xi1> to vector<16xi32>
        scf.yield %convert_element_type3A_40 : vector<16xi32>
      }
    }
    %scan3A_13 = arith.constant 40 : i32
    %scan3A_14 = arith.constant 0 : i32
    %scan3A_15 = arith.constant 0 : i32
    %scan3A_16 = arith.constant 40 : i32
    %scan3A_17 = arith.addi %scan3A_15, %scan3A_16 : i32
    %scan3A_18 = arith.constant 1 : i32
    scf.for %scan3A_20 = %scan3A_15 to %scan3A_17 step %scan3A_18  : i32 {
      %mul3A_21 = arith.constant 16 : i32
      %mul3A_22 = arith.muli %scan3A_20, %mul3A_21 : i32
      %get3A = arith.index_cast %mul3A_22 : i32 to index
      %get3A_23 = tpu.vector_load %arg6[%get3A] {strides = array<i32>} : memref<640xi32, #tpu.memory_space<vmem>>, vector<16xi32>,
      %mul3A_24 = arith.constant 16 : i32
      %mul3A_25 = arith.muli %scan3A_20, %mul3A_24 : i32
      %get3A_26 = arith.index_cast %mul3A_25 : i32 to index
      %get3A_27 = tpu.vector_load %arg7[%get3A_26] {strides = array<i32>} : memref<640xf32, #tpu.memory_space<vmem>>, vector<16xf32>,
      %lt3A = arith.constant 1536 : i32
      %lt3A_28 = vector.broadcast %lt3A : i32 to vector<16xi32>
      %lt3A_29 = arith.cmpi slt, %get3A_23, %lt3A_28 : vector<16xi32>
      %jit3A = arith.constant 0 : i32
      %broadcast_in_dim3A = vector.broadcast %jit3A : i32 to vector<16xi32>
      %select_n3A = arith.select %lt3A_29, %get3A_23, %broadcast_in_dim3A : vector<16xi1>, vector<16xi32>
      %gather3A = tpu.vector_load_idx %arg8[%select_n3A] : memref<1536xf32, #tpu.memory_space<vmem>>[vector<16xi32>], vector<16xf32>,
      %eq3A = arith.cmpf oeq, %get3A_27, %gather3A : vector<16xf32>
      %and3A = arith.andi %lt3A_29, %eq3A : vector<16xi1>
      %iota3A = tpu.iota {dimensions = array<i32: 0>} : vector<16xi32>
      %mul3A_30 = arith.constant 16 : i32
      %mul3A_31 = arith.muli %scan3A_20, %mul3A_30 : i32
      %add3A_32 = arith.addi %mul3A_2, %mul3A_31 : i32
      %add3A_33 = vector.broadcast %add3A_32 : i32 to vector<16xi32>
      %add3A_34 = arith.addi %iota3A, %add3A_33 : vector<16xi32>
      %convert_element_type3A = arith.extui %and3A : vector<16xi1> to vector<16xi32>
      %while3A = scf.while (%while3A_35 = %convert_element_type3A) : (vector<16xi32>) -> vector<16xi32> {
        %reduce_max3A = arith.constant true
        %reduce_max3A_36 = vector.broadcast %reduce_max3A : i1 to vector<16xi1>
        %reduce_max3A_37 = arith.constant -2147483648 : i32
        %reduce_max3A_38 = vector.broadcast %reduce_max3A_37 : i32 to vector<16xi32>
        %reduce_max3A_39 = arith.xori %while3A_35, %reduce_max3A_38 : vector<16xi32>
        %reduce_max3A_40 = tpu.scan <max>, %reduce_max3A_39 masked %reduce_max3A_36 : vector<16xi32>, vector<16xi1> -> vector<16xi32>
        %reduce_max3A_41 = arith.xori %reduce_max3A_40, %reduce_max3A_38 : vector<16xi32>
        %reduce_max3A_42 = vector.extract %reduce_max3A_41[15] : i32 from vector<16xi32>
        %gt3A = arith.constant 0 : i32
        %gt3A_43 = arith.cmpi sgt, %reduce_max3A_42, %gt3A : i32
        scf.condition(%gt3A_43) %while3A_35 : vector<16xi32>
      } do {
      ^bb0(%while3A_35: vector<16xi32>):
        %gather3A_36 = tpu.vector_load_idx %arg9[%select_n3A] : memref<1536xi32, #tpu.memory_space<vmem>>[vector<16xi32>], vector<16xi32>,
        %gt3A = arith.constant 0 : i32
        %gt3A_37 = vector.broadcast %gt3A : i32 to vector<16xi32>
        %gt3A_38 = arith.cmpi sgt, %while3A_35, %gt3A_37 : vector<16xi32>
        %lt3A_39 = arith.cmpi slt, %add3A_34, %gather3A_36 : vector<16xi32>
        %and3A_40 = arith.andi %gt3A_38, %lt3A_39 : vector<16xi1>
        tpu.vector_store_idx %arg9[%select_n3A], %add3A_34 masked %and3A_40 : memref<1536xi32, #tpu.memory_space<vmem>>[vector<16xi32>], vector<16xi32>, vector<16xi1>
        %gather3A_41 = tpu.vector_load_idx %arg9[%select_n3A] : memref<1536xi32, #tpu.memory_space<vmem>>[vector<16xi32>], vector<16xi32>,
        %gt3A_42 = arith.constant 0 : i32
        %gt3A_43 = vector.broadcast %gt3A_42 : i32 to vector<16xi32>
        %gt3A_44 = arith.cmpi sgt, %while3A_35, %gt3A_43 : vector<16xi32>
        %lt3A_45 = arith.cmpi slt, %add3A_34, %gather3A_41 : vector<16xi32>
        %and3A_46 = arith.andi %gt3A_44, %lt3A_45 : vector<16xi1>
        %convert_element_type3A_47 = arith.extui %and3A_46 : vector<16xi1> to vector<16xi32>
        scf.yield %convert_element_type3A_47 : vector<16xi32>
      }
    }
    %scan3A_19 = arith.constant 40 : i32
    "tpu.region"() ({
      %run_scoped3A = tpu.sem_alloc : memref<!tpu.dma_semaphore, #tpu.memory_space<semaphore_mem>>
      %dma_start3A = arith.constant 0 : i32
      %dma_start3A_20 = tpu.memref_slice %arg4[%add3A, %dma_start3A] : memref<32x1536xf32, #tpu.memory_space<hbm>> -> memref<1x1536xf32, #tpu.memory_space<hbm>>
      %dma_start3A_21 = tpu.memref_squeeze %dma_start3A_20 : memref<1x1536xf32, #tpu.memory_space<hbm>> -> memref<1536xf32, #tpu.memory_space<hbm>>
      %dma_start3A_22 = arith.constant 0 : i32
      %dma_start3A_23 = tpu.memref_slice %arg4[%add3A, %dma_start3A_22] : memref<32x1536xf32, #tpu.memory_space<hbm>> -> memref<1x1536xf32, #tpu.memory_space<hbm>>
      %dma_start3A_24 = tpu.memref_squeeze %dma_start3A_23 : memref<1x1536xf32, #tpu.memory_space<hbm>> -> memref<1536xf32, #tpu.memory_space<hbm>>
      tpu.enqueue_dma source(%arg8 : memref<1536xf32, #tpu.memory_space<vmem>>) target(%dma_start3A_24 : memref<1536xf32, #tpu.memory_space<hbm>>) target_semaphore(%run_scoped3A : memref<!tpu.dma_semaphore, #tpu.memory_space<semaphore_mem>>)
      %dma_wait3A = arith.constant 0 : i32
      %dma_wait3A_25 = tpu.memref_slice %arg4[%add3A, %dma_wait3A] : memref<32x1536xf32, #tpu.memory_space<hbm>> -> memref<1x1536xf32, #tpu.memory_space<hbm>>
      %dma_wait3A_26 = tpu.memref_squeeze %dma_wait3A_25 : memref<1x1536xf32, #tpu.memory_space<hbm>> -> memref<1536xf32, #tpu.memory_space<hbm>>
      %dma_wait3A_27 = arith.constant 0 : i32
      %dma_wait3A_28 = tpu.memref_slice %arg4[%add3A, %dma_wait3A_27] : memref<32x1536xf32, #tpu.memory_space<hbm>> -> memref<1x1536xf32, #tpu.memory_space<hbm>>
      %dma_wait3A_29 = tpu.memref_squeeze %dma_wait3A_28 : memref<1x1536xf32, #tpu.memory_space<hbm>> -> memref<1536xf32, #tpu.memory_space<hbm>>
      tpu.wait_dma2 semaphore(%run_scoped3A : memref<!tpu.dma_semaphore, #tpu.memory_space<semaphore_mem>>) src(%arg8 : memref<1536xf32, #tpu.memory_space<vmem>>) dst(%dma_wait3A_29 : memref<1536xf32, #tpu.memory_space<hbm>>)
      tpu.yield
    }) : () -> ()
    "tpu.region"() ({
      %run_scoped3A = tpu.sem_alloc : memref<!tpu.dma_semaphore, #tpu.memory_space<semaphore_mem>>
      %dma_start3A = arith.constant 0 : i32
      %dma_start3A_20 = tpu.memref_slice %arg5[%add3A, %dma_start3A] : memref<32x1536xi32, #tpu.memory_space<hbm>> -> memref<1x1536xi32, #tpu.memory_space<hbm>>
      %dma_start3A_21 = tpu.memref_squeeze %dma_start3A_20 : memref<1x1536xi32, #tpu.memory_space<hbm>> -> memref<1536xi32, #tpu.memory_space<hbm>>
      %dma_start3A_22 = arith.constant 0 : i32
      %dma_start3A_23 = tpu.memref_slice %arg5[%add3A, %dma_start3A_22] : memref<32x1536xi32, #tpu.memory_space<hbm>> -> memref<1x1536xi32, #tpu.memory_space<hbm>>
      %dma_start3A_24 = tpu.memref_squeeze %dma_start3A_23 : memref<1x1536xi32, #tpu.memory_space<hbm>> -> memref<1536xi32, #tpu.memory_space<hbm>>
      tpu.enqueue_dma source(%arg9 : memref<1536xi32, #tpu.memory_space<vmem>>) target(%dma_start3A_24 : memref<1536xi32, #tpu.memory_space<hbm>>) target_semaphore(%run_scoped3A : memref<!tpu.dma_semaphore, #tpu.memory_space<semaphore_mem>>)
      %dma_wait3A = arith.constant 0 : i32
      %dma_wait3A_25 = tpu.memref_slice %arg5[%add3A, %dma_wait3A] : memref<32x1536xi32, #tpu.memory_space<hbm>> -> memref<1x1536xi32, #tpu.memory_space<hbm>>
      %dma_wait3A_26 = tpu.memref_squeeze %dma_wait3A_25 : memref<1x1536xi32, #tpu.memory_space<hbm>> -> memref<1536xi32, #tpu.memory_space<hbm>>
      %dma_wait3A_27 = arith.constant 0 : i32
      %dma_wait3A_28 = tpu.memref_slice %arg5[%add3A, %dma_wait3A_27] : memref<32x1536xi32, #tpu.memory_space<hbm>> -> memref<1x1536xi32, #tpu.memory_space<hbm>>
      %dma_wait3A_29 = tpu.memref_squeeze %dma_wait3A_28 : memref<1x1536xi32, #tpu.memory_space<hbm>> -> memref<1536xi32, #tpu.memory_space<hbm>>
      tpu.wait_dma2 semaphore(%run_scoped3A : memref<!tpu.dma_semaphore, #tpu.memory_space<semaphore_mem>>) src(%arg9 : memref<1536xi32, #tpu.memory_space<vmem>>) dst(%dma_wait3A_29 : memref<1536xi32, #tpu.memory_space<hbm>>)
      tpu.yield
    }) : () -> ()
    return
  }
}

module attributes {stable_mosaic.version = 14 : i64} {
  func.func @_bucket_body(%arg0: i32, %arg1: memref<1x2048xf32, #tpu.memory_space<vmem>>, %arg2: memref<1x2048xf32, #tpu.memory_space<vmem>>, %arg3: memref<1x2048xf32, #tpu.memory_space<vmem>>, %arg4: memref<1x2048xf32, #tpu.memory_space<vmem>>, %arg5: memref<1x2048xi32, #tpu.memory_space<vmem>>, %arg6: memref<512x1xf32, #tpu.memory_space<vmem>>, %arg7: memref<512x1xf32, #tpu.memory_space<vmem>>, %arg8: memref<512x1xf32, #tpu.memory_space<vmem>>, %arg9: memref<512x1xf32, #tpu.memory_space<vmem>>, %arg10: memref<512x1xf32, #tpu.memory_space<vmem>>, %arg11: memref<1x2048xi32, #tpu.memory_space<vmem>>) attributes {dimension_semantics = [#tpu.dimension_semantics<arbitrary>], iteration_bounds = array<i64: 10>, scalar_prefetch = 0 : i64, scratch_operands = 0 : i64, tpu.core_type = #tpu.core_type<tc>, window_params = [{transform_indices = @transform_0, window_bounds = array<i64: 1, 2048>}, {transform_indices = @transform_1, window_bounds = array<i64: 1, 2048>}, {transform_indices = @transform_2, window_bounds = array<i64: 1, 2048>}, {transform_indices = @transform_3, window_bounds = array<i64: 1, 2048>}, {transform_indices = @transform_4, window_bounds = array<i64: 1, 2048>}, {pipeline_mode = #tpu.pipeline_mode<synchronous>, transform_indices = @transform_5, window_bounds = array<i64: 512, 1>}, {pipeline_mode = #tpu.pipeline_mode<synchronous>, transform_indices = @transform_6, window_bounds = array<i64: 512, 1>}, {pipeline_mode = #tpu.pipeline_mode<synchronous>, transform_indices = @transform_7, window_bounds = array<i64: 512, 1>}, {pipeline_mode = #tpu.pipeline_mode<synchronous>, transform_indices = @transform_8, window_bounds = array<i64: 512, 1>}, {pipeline_mode = #tpu.pipeline_mode<synchronous>, transform_indices = @transform_9, window_bounds = array<i64: 512, 1>}, {transform_indices = @transform_10, window_bounds = array<i64: 1, 2048>}]} {
    %get3A = arith.constant 0 : index
    %get3A_0 = arith.constant 0 : index
    %get3A_1 = vector.load %arg3[%get3A, %get3A_0] : memref<1x2048xf32, #tpu.memory_space<vmem>>, vector<1x2048xf32>
    %get3A_2 = arith.constant 0 : index
    %get3A_3 = arith.constant 0 : index
    %get3A_4 = vector.load %arg1[%get3A_2, %get3A_3] : memref<1x2048xf32, #tpu.memory_space<vmem>>, vector<1x2048xf32>
    %sub3A = arith.subf %get3A_1, %get3A_4 : vector<1x2048xf32>
    %get3A_5 = arith.constant 0 : index
    %get3A_6 = arith.constant 0 : index
    %get3A_7 = vector.load %arg4[%get3A_5, %get3A_6] : memref<1x2048xf32, #tpu.memory_space<vmem>>, vector<1x2048xf32>
    %get3A_8 = arith.constant 0 : index
    %get3A_9 = arith.constant 0 : index
    %get3A_10 = vector.load %arg2[%get3A_8, %get3A_9] : memref<1x2048xf32, #tpu.memory_space<vmem>>, vector<1x2048xf32>
    %sub3A_11 = arith.subf %get3A_7, %get3A_10 : vector<1x2048xf32>
    %mul3A = arith.mulf %sub3A, %sub3A_11 : vector<1x2048xf32>
    %get3A_12 = arith.constant 0 : index
    %get3A_13 = arith.constant 0 : index
    %get3A_14 = vector.load %arg8[%get3A_12, %get3A_13] : memref<512x1xf32, #tpu.memory_space<vmem>>, vector<512x1xf32>
    %get3A_15 = arith.constant 0 : index
    %get3A_16 = arith.constant 0 : index
    %get3A_17 = vector.load %arg6[%get3A_15, %get3A_16] : memref<512x1xf32, #tpu.memory_space<vmem>>, vector<512x1xf32>
    %sub3A_18 = arith.subf %get3A_14, %get3A_17 : vector<512x1xf32>
    %get3A_19 = arith.constant 0 : index
    %get3A_20 = arith.constant 0 : index
    %get3A_21 = vector.load %arg9[%get3A_19, %get3A_20] : memref<512x1xf32, #tpu.memory_space<vmem>>, vector<512x1xf32>
    %get3A_22 = arith.constant 0 : index
    %get3A_23 = arith.constant 0 : index
    %get3A_24 = vector.load %arg7[%get3A_22, %get3A_23] : memref<512x1xf32, #tpu.memory_space<vmem>>, vector<512x1xf32>
    %sub3A_25 = arith.subf %get3A_21, %get3A_24 : vector<512x1xf32>
    %mul3A_26 = arith.mulf %sub3A_18, %sub3A_25 : vector<512x1xf32>
    %get3A_27 = arith.constant 0 : index
    %get3A_28 = arith.constant 0 : index
    %get3A_29 = vector.load %arg6[%get3A_27, %get3A_28] : memref<512x1xf32, #tpu.memory_space<vmem>>, vector<512x1xf32>
    %get3A_30 = arith.constant 0 : index
    %get3A_31 = arith.constant 0 : index
    %get3A_32 = vector.load %arg1[%get3A_30, %get3A_31] : memref<1x2048xf32, #tpu.memory_space<vmem>>, vector<1x2048xf32>
    %max3A = vector.broadcast %get3A_29 : vector<512x1xf32> to vector<512x2048xf32>
    %max3A_33 = vector.broadcast %get3A_32 : vector<1x2048xf32> to vector<512x2048xf32>
    %max3A_34 = arith.maximumf %max3A, %max3A_33 : vector<512x2048xf32>
    %get3A_35 = arith.constant 0 : index
    %get3A_36 = arith.constant 0 : index
    %get3A_37 = vector.load %arg7[%get3A_35, %get3A_36] : memref<512x1xf32, #tpu.memory_space<vmem>>, vector<512x1xf32>
    %get3A_38 = arith.constant 0 : index
    %get3A_39 = arith.constant 0 : index
    %get3A_40 = vector.load %arg2[%get3A_38, %get3A_39] : memref<1x2048xf32, #tpu.memory_space<vmem>>, vector<1x2048xf32>
    %max3A_41 = vector.broadcast %get3A_37 : vector<512x1xf32> to vector<512x2048xf32>
    %max3A_42 = vector.broadcast %get3A_40 : vector<1x2048xf32> to vector<512x2048xf32>
    %max3A_43 = arith.maximumf %max3A_41, %max3A_42 : vector<512x2048xf32>
    %get3A_44 = arith.constant 0 : index
    %get3A_45 = arith.constant 0 : index
    %get3A_46 = vector.load %arg8[%get3A_44, %get3A_45] : memref<512x1xf32, #tpu.memory_space<vmem>>, vector<512x1xf32>
    %get3A_47 = arith.constant 0 : index
    %get3A_48 = arith.constant 0 : index
    %get3A_49 = vector.load %arg3[%get3A_47, %get3A_48] : memref<1x2048xf32, #tpu.memory_space<vmem>>, vector<1x2048xf32>
    %min3A = vector.broadcast %get3A_46 : vector<512x1xf32> to vector<512x2048xf32>
    %min3A_50 = vector.broadcast %get3A_49 : vector<1x2048xf32> to vector<512x2048xf32>
    %min3A_51 = arith.minimumf %min3A, %min3A_50 : vector<512x2048xf32>
    %get3A_52 = arith.constant 0 : index
    %get3A_53 = arith.constant 0 : index
    %get3A_54 = vector.load %arg9[%get3A_52, %get3A_53] : memref<512x1xf32, #tpu.memory_space<vmem>>, vector<512x1xf32>
    %get3A_55 = arith.constant 0 : index
    %get3A_56 = arith.constant 0 : index
    %get3A_57 = vector.load %arg4[%get3A_55, %get3A_56] : memref<1x2048xf32, #tpu.memory_space<vmem>>, vector<1x2048xf32>
    %min3A_58 = vector.broadcast %get3A_54 : vector<512x1xf32> to vector<512x2048xf32>
    %min3A_59 = vector.broadcast %get3A_57 : vector<1x2048xf32> to vector<512x2048xf32>
    %min3A_60 = arith.minimumf %min3A_58, %min3A_59 : vector<512x2048xf32>
    %sub3A_61 = arith.subf %min3A_51, %max3A_34 : vector<512x2048xf32>
    %jit3A = arith.constant 0.000000e+00 : f32
    %max3A_62 = vector.broadcast %jit3A : f32 to vector<512x2048xf32>
    %max3A_63 = arith.maximumf %max3A_62, %sub3A_61 : vector<512x2048xf32>
    %sub3A_64 = arith.subf %min3A_60, %max3A_43 : vector<512x2048xf32>
    %jit3A_65 = arith.constant 0.000000e+00 : f32
    %max3A_66 = vector.broadcast %jit3A_65 : f32 to vector<512x2048xf32>
    %max3A_67 = arith.maximumf %max3A_66, %sub3A_64 : vector<512x2048xf32>
    %mul3A_68 = arith.mulf %max3A_63, %max3A_67 : vector<512x2048xf32>
    %add3A = vector.broadcast %mul3A_26 : vector<512x1xf32> to vector<512x2048xf32>
    %add3A_69 = vector.broadcast %mul3A : vector<1x2048xf32> to vector<512x2048xf32>
    %add3A_70 = arith.addf %add3A, %add3A_69 : vector<512x2048xf32>
    %sub3A_71 = arith.subf %add3A_70, %mul3A_68 : vector<512x2048xf32>
    %div3A = arith.divf %mul3A_68, %sub3A_71 : vector<512x2048xf32>
    %get3A_72 = arith.constant 0 : index
    %get3A_73 = arith.constant 0 : index
    %get3A_74 = vector.load %arg10[%get3A_72, %get3A_73] : memref<512x1xf32, #tpu.memory_space<vmem>>, vector<512x1xf32>
    %get3A_75 = arith.constant 0 : index
    %get3A_76 = arith.constant 0 : index
    %get3A_77 = vector.load %arg5[%get3A_75, %get3A_76] : memref<1x2048xi32, #tpu.memory_space<vmem>>, vector<1x2048xi32>
    %convert_element_type3A = arith.sitofp %get3A_77 : vector<1x2048xi32> to vector<1x2048xf32>
    %eq3A = vector.broadcast %get3A_74 : vector<512x1xf32> to vector<512x2048xf32>
    %eq3A_78 = vector.broadcast %convert_element_type3A : vector<1x2048xf32> to vector<512x2048xf32>
    %eq3A_79 = arith.cmpf oeq, %eq3A, %eq3A_78 : vector<512x2048xf32>
    %jit3A_80 = arith.constant 0xFF800000 : f32
    %broadcast_in_dim3A = vector.broadcast %jit3A_80 : f32 to vector<512x2048xf32>
    %select_n3A = arith.select %eq3A_79, %div3A, %broadcast_in_dim3A : vector<512x2048xi1>, vector<512x2048xf32>
    %reduce_max3A = arith.constant dense<0xFF800000> : vector<2048xf32>
    %reduce_max3A_81 = vector.multi_reduction <maximumf>, %select_n3A, %reduce_max3A [0] : vector<512x2048xf32> to vector<2048xf32>
    %broadcast_in_dim3A_82 = vector.shape_cast %reduce_max3A_81 : vector<2048xf32> to vector<1x2048xf32>
    %gt3A = arith.constant 5.000000e-01 : f32
    %gt3A_83 = vector.broadcast %gt3A : f32 to vector<1x2048xf32>
    %gt3A_84 = arith.cmpf ogt, %broadcast_in_dim3A_82, %gt3A_83 : vector<1x2048xf32>
    %iota3A = tpu.iota {dimensions = array<i32: 0>} : vector<512x2048xi32>
    %eq3A_85 = vector.broadcast %broadcast_in_dim3A_82 : vector<1x2048xf32> to vector<512x2048xf32>
    %eq3A_86 = arith.cmpf oeq, %select_n3A, %eq3A_85 : vector<512x2048xf32>
    %jit3A_87 = arith.constant 512 : i32
    %broadcast_in_dim3A_88 = vector.broadcast %jit3A_87 : i32 to vector<512x2048xi32>
    %select_n3A_89 = arith.select %eq3A_86, %iota3A, %broadcast_in_dim3A_88 : vector<512x2048xi1>, vector<512x2048xi32>
    %reduce_min3A = arith.constant dense<2147483647> : vector<2048xi32>
    %reduce_min3A_90 = vector.multi_reduction <minsi>, %select_n3A_89, %reduce_min3A [0] : vector<512x2048xi32> to vector<2048xi32>
    %broadcast_in_dim3A_91 = vector.shape_cast %reduce_min3A_90 : vector<2048xi32> to vector<1x2048xi32>
    %gt3A_92 = arith.constant 5.000000e-01 : f32
    %gt3A_93 = vector.broadcast %gt3A_92 : f32 to vector<512x2048xf32>
    %gt3A_94 = arith.cmpf ogt, %select_n3A, %gt3A_93 : vector<512x2048xf32>
    %lt3A = vector.broadcast %broadcast_in_dim3A_91 : vector<1x2048xi32> to vector<512x2048xi32>
    %lt3A_95 = arith.cmpi slt, %iota3A, %lt3A : vector<512x2048xi32>
    %and3A = arith.andi %gt3A_94, %lt3A_95 : vector<512x2048xi1>
    %convert_element_type3A_96 = arith.extui %and3A : vector<512x2048xi1> to vector<512x2048xi32>
    %reduce_sum3A = arith.constant dense<0> : vector<2048xi32>
    %reduce_sum3A_97 = vector.multi_reduction <add>, %convert_element_type3A_96, %reduce_sum3A [0] : vector<512x2048xi32> to vector<2048xi32>
    %broadcast_in_dim3A_98 = vector.shape_cast %reduce_sum3A_97 : vector<2048xi32> to vector<1x2048xi32>
    %get3A_99 = arith.constant 0 : index
    %get3A_100 = arith.constant 0 : index
    %get3A_101 = vector.load %arg5[%get3A_99, %get3A_100] : memref<1x2048xi32, #tpu.memory_space<vmem>>, vector<1x2048xi32>
    %sub3A_102 = arith.constant 1 : i32
    %sub3A_103 = vector.broadcast %sub3A_102 : i32 to vector<1x2048xi32>
    %sub3A_104 = arith.subi %get3A_101, %sub3A_103 : vector<1x2048xi32>
    %mul3A_105 = arith.constant 512 : i32
    %mul3A_106 = vector.broadcast %mul3A_105 : i32 to vector<1x2048xi32>
    %mul3A_107 = arith.muli %sub3A_104, %mul3A_106 : vector<1x2048xi32>
    %add3A_108 = arith.addi %mul3A_107, %broadcast_in_dim3A_98 : vector<1x2048xi32>
    %jit3A_109 = arith.constant 1048576 : i32
    %broadcast_in_dim3A_110 = vector.broadcast %jit3A_109 : i32 to vector<1x2048xi32>
    %select_n3A_111 = arith.select %gt3A_84, %add3A_108, %broadcast_in_dim3A_110 : vector<1x2048xi1>, vector<1x2048xi32>
    %swap3A = arith.constant 0 : index
    %swap3A_112 = arith.constant 0 : index
    %swap3A_113 = vector.load %arg11[%swap3A, %swap3A_112] : memref<1x2048xi32, #tpu.memory_space<vmem>>, vector<1x2048xi32>
    tpu.vector_store %arg11[%swap3A, %swap3A_112], %select_n3A_111 {strides = array<i32>} : memref<1x2048xi32, #tpu.memory_space<vmem>>, vector<1x2048xi32>,
    return
  }
  func.func @transform_0(%arg0: i32) -> (i32, i32) {
    %c0_i32 = arith.constant 0 : i32
    %c0_i32_0 = arith.constant 0 : i32
    return %c0_i32, %arg0 : i32, i32
  }
  func.func @transform_1(%arg0: i32) -> (i32, i32) {
    %c0_i32 = arith.constant 0 : i32
    %c0_i32_0 = arith.constant 0 : i32
    return %c0_i32, %arg0 : i32, i32
  }
  func.func @transform_2(%arg0: i32) -> (i32, i32) {
    %c0_i32 = arith.constant 0 : i32
    %c0_i32_0 = arith.constant 0 : i32
    return %c0_i32, %arg0 : i32, i32
  }
  func.func @transform_3(%arg0: i32) -> (i32, i32) {
    %c0_i32 = arith.constant 0 : i32
    %c0_i32_0 = arith.constant 0 : i32
    return %c0_i32, %arg0 : i32, i32
  }
  func.func @transform_4(%arg0: i32) -> (i32, i32) {
    %c0_i32 = arith.constant 0 : i32
    %c0_i32_0 = arith.constant 0 : i32
    return %c0_i32, %arg0 : i32, i32
  }
  func.func @transform_5(%arg0: i32) -> (i32, i32) {
    %c0_i32 = arith.constant 0 : i32
    %c0_i32_0 = arith.constant 0 : i32
    %c0_i32_1 = arith.constant 0 : i32
    return %c0_i32, %c0_i32_0 : i32, i32
  }
  func.func @transform_6(%arg0: i32) -> (i32, i32) {
    %c0_i32 = arith.constant 0 : i32
    %c0_i32_0 = arith.constant 0 : i32
    %c0_i32_1 = arith.constant 0 : i32
    return %c0_i32, %c0_i32_0 : i32, i32
  }
  func.func @transform_7(%arg0: i32) -> (i32, i32) {
    %c0_i32 = arith.constant 0 : i32
    %c0_i32_0 = arith.constant 0 : i32
    %c0_i32_1 = arith.constant 0 : i32
    return %c0_i32, %c0_i32_0 : i32, i32
  }
  func.func @transform_8(%arg0: i32) -> (i32, i32) {
    %c0_i32 = arith.constant 0 : i32
    %c0_i32_0 = arith.constant 0 : i32
    %c0_i32_1 = arith.constant 0 : i32
    return %c0_i32, %c0_i32_0 : i32, i32
  }
  func.func @transform_9(%arg0: i32) -> (i32, i32) {
    %c0_i32 = arith.constant 0 : i32
    %c0_i32_0 = arith.constant 0 : i32
    %c0_i32_1 = arith.constant 0 : i32
    return %c0_i32, %c0_i32_0 : i32, i32
  }
  func.func @transform_10(%arg0: i32) -> (i32, i32) {
    %c0_i32 = arith.constant 0 : i32
    %c0_i32_0 = arith.constant 0 : i32
    return %c0_i32, %arg0 : i32, i32
  }
}

module attributes {stable_mosaic.version = 14 : i64} {
  func.func @_final_body(%arg0: memref<20480x1xf32, #tpu.memory_space<vmem>>, %arg1: memref<20480x1xi32, #tpu.memory_space<vmem>>, %arg2: memref<512x1xf32, #tpu.memory_space<vmem>>, %arg3: memref<32x1536xf32, #tpu.memory_space<vmem>>, %arg4: memref<32x1536xi32, #tpu.memory_space<vmem>>, %arg5: memref<1x1xf32, #tpu.memory_space<vmem>>) attributes {dimension_semantics = [], scalar_prefetch = 0 : i64, scratch_operands = 0 : i64, tpu.core_type = #tpu.core_type<tc>} {
    %get3A = arith.constant 0 : index
    %get3A_0 = arith.constant 0 : index
    %get3A_1 = vector.load %arg3[%get3A, %get3A_0] : memref<32x1536xf32, #tpu.memory_space<vmem>>, vector<32x512xf32>
    %get3A_2 = arith.constant 0 : index
    %get3A_3 = arith.constant 0 : index
    %get3A_4 = vector.load %arg4[%get3A_2, %get3A_3] : memref<32x1536xi32, #tpu.memory_space<vmem>>, vector<32x512xi32>
    %reduce_max3A = arith.constant dense<0xFF800000> : vector<512xf32>
    %reduce_max3A_5 = vector.multi_reduction <maximumf>, %get3A_1, %reduce_max3A [0] : vector<32x512xf32> to vector<512xf32>
    %broadcast_in_dim3A = vector.shape_cast %reduce_max3A_5 : vector<512xf32> to vector<1x512xf32>
    %eq3A = vector.broadcast %broadcast_in_dim3A : vector<1x512xf32> to vector<32x512xf32>
    %eq3A_6 = arith.cmpf oeq, %get3A_1, %eq3A : vector<32x512xf32>
    %jit3A = arith.constant 1073741824 : i32
    %broadcast_in_dim3A_7 = vector.broadcast %jit3A : i32 to vector<32x512xi32>
    %select_n3A = arith.select %eq3A_6, %get3A_4, %broadcast_in_dim3A_7 : vector<32x512xi1>, vector<32x512xi32>
    %reduce_min3A = arith.constant dense<2147483647> : vector<512xi32>
    %reduce_min3A_8 = vector.multi_reduction <minsi>, %select_n3A, %reduce_min3A [0] : vector<32x512xi32> to vector<512xi32>
    %broadcast_in_dim3A_9 = vector.shape_cast %reduce_min3A_8 : vector<512xi32> to vector<1x512xi32>
    %get3A_10 = arith.constant 0 : index
    %get3A_11 = arith.constant 512 : index
    %get3A_12 = vector.load %arg3[%get3A_10, %get3A_11] : memref<32x1536xf32, #tpu.memory_space<vmem>>, vector<32x512xf32>
    %get3A_13 = arith.constant 0 : index
    %get3A_14 = arith.constant 512 : index
    %get3A_15 = vector.load %arg4[%get3A_13, %get3A_14] : memref<32x1536xi32, #tpu.memory_space<vmem>>, vector<32x512xi32>
    %reduce_max3A_16 = arith.constant dense<0xFF800000> : vector<512xf32>
    %reduce_max3A_17 = vector.multi_reduction <maximumf>, %get3A_12, %reduce_max3A_16 [0] : vector<32x512xf32> to vector<512xf32>
    %broadcast_in_dim3A_18 = vector.shape_cast %reduce_max3A_17 : vector<512xf32> to vector<1x512xf32>
    %eq3A_19 = vector.broadcast %broadcast_in_dim3A_18 : vector<1x512xf32> to vector<32x512xf32>
    %eq3A_20 = arith.cmpf oeq, %get3A_12, %eq3A_19 : vector<32x512xf32>
    %jit3A_21 = arith.constant 1073741824 : i32
    %broadcast_in_dim3A_22 = vector.broadcast %jit3A_21 : i32 to vector<32x512xi32>
    %select_n3A_23 = arith.select %eq3A_20, %get3A_15, %broadcast_in_dim3A_22 : vector<32x512xi1>, vector<32x512xi32>
    %reduce_min3A_24 = arith.constant dense<2147483647> : vector<512xi32>
    %reduce_min3A_25 = vector.multi_reduction <minsi>, %select_n3A_23, %reduce_min3A_24 [0] : vector<32x512xi32> to vector<512xi32>
    %broadcast_in_dim3A_26 = vector.shape_cast %reduce_min3A_25 : vector<512xi32> to vector<1x512xi32>
    %get3A_27 = arith.constant 0 : index
    %get3A_28 = arith.constant 1024 : index
    %get3A_29 = vector.load %arg3[%get3A_27, %get3A_28] : memref<32x1536xf32, #tpu.memory_space<vmem>>, vector<32x512xf32>
    %get3A_30 = arith.constant 0 : index
    %get3A_31 = arith.constant 1024 : index
    %get3A_32 = vector.load %arg4[%get3A_30, %get3A_31] : memref<32x1536xi32, #tpu.memory_space<vmem>>, vector<32x512xi32>
    %reduce_max3A_33 = arith.constant dense<0xFF800000> : vector<512xf32>
    %reduce_max3A_34 = vector.multi_reduction <maximumf>, %get3A_29, %reduce_max3A_33 [0] : vector<32x512xf32> to vector<512xf32>
    %broadcast_in_dim3A_35 = vector.shape_cast %reduce_max3A_34 : vector<512xf32> to vector<1x512xf32>
    %eq3A_36 = vector.broadcast %broadcast_in_dim3A_35 : vector<1x512xf32> to vector<32x512xf32>
    %eq3A_37 = arith.cmpf oeq, %get3A_29, %eq3A_36 : vector<32x512xf32>
    %jit3A_38 = arith.constant 1073741824 : i32
    %broadcast_in_dim3A_39 = vector.broadcast %jit3A_38 : i32 to vector<32x512xi32>
    %select_n3A_40 = arith.select %eq3A_37, %get3A_32, %broadcast_in_dim3A_39 : vector<32x512xi1>, vector<32x512xi32>
    %reduce_min3A_41 = arith.constant dense<2147483647> : vector<512xi32>
    %reduce_min3A_42 = vector.multi_reduction <minsi>, %select_n3A_40, %reduce_min3A_41 [0] : vector<32x512xi32> to vector<512xi32>
    %broadcast_in_dim3A_43 = vector.shape_cast %reduce_min3A_42 : vector<512xi32> to vector<1x512xi32>
    %broadcast_in_dim3A_44 = arith.constant 0 : i32
    %broadcast_in_dim3A_45 = vector.broadcast %broadcast_in_dim3A_44 : i32 to vector<1x512xi32>
    %scan3A = arith.constant 0 : i32
    %scan3A_46 = arith.constant 0 : i32
    %scan3A_47 = arith.constant 0 : i32
    %scan3A_48 = arith.constant 0 : i32
    %scan3A_49 = arith.constant 20 : i32
    %scan3A_50 = arith.addi %scan3A_48, %scan3A_49 : i32
    %scan3A_51 = arith.constant 1 : i32
    %scan3A_52:6 = scf.for %scan3A_175 = %scan3A_48 to %scan3A_50 step %scan3A_51 iter_args(%scan3A_176 = %broadcast_in_dim3A_45, %scan3A_177 = %broadcast_in_dim3A_45, %scan3A_178 = %broadcast_in_dim3A_45, %scan3A_179 = %scan3A, %scan3A_180 = %scan3A_46, %scan3A_181 = %scan3A_47) -> (vector<1x512xi32>, vector<1x512xi32>, vector<1x512xi32>, i32, i32, i32)  : i32 {
      %mul3A = arith.constant 1024 : i32
      %mul3A_182 = arith.muli %scan3A_175, %mul3A : i32
      %get3A_183 = arith.index_cast %mul3A_182 : i32 to index
      %get3A_184 = arith.constant 0 : index
      %get3A_185 = vector.load %arg0[%get3A_183, %get3A_184] : memref<20480x1xf32, #tpu.memory_space<vmem>>, vector<1024x1xf32>
      %mul3A_186 = arith.constant 1024 : i32
      %mul3A_187 = arith.muli %scan3A_175, %mul3A_186 : i32
      %get3A_188 = arith.index_cast %mul3A_187 : i32 to index
      %get3A_189 = arith.constant 0 : index
      %get3A_190 = vector.load %arg1[%get3A_188, %get3A_189] : memref<20480x1xi32, #tpu.memory_space<vmem>>, vector<1024x1xi32>
      %iota3A = tpu.iota {dimensions = array<i32: 0>} : vector<1024x1xi32>
      %mul3A_191 = arith.constant 1024 : i32
      %mul3A_192 = arith.muli %scan3A_175, %mul3A_191 : i32
      %add3A_193 = vector.broadcast %mul3A_192 : i32 to vector<1024x1xi32>
      %add3A_194 = arith.addi %iota3A, %add3A_193 : vector<1024x1xi32>
      %eq3A_195 = arith.constant 1 : i32
      %eq3A_196 = vector.broadcast %eq3A_195 : i32 to vector<1024x1xi32>
      %eq3A_197 = arith.cmpi eq, %get3A_190, %eq3A_196 : vector<1024x1xi32>
      %jit3A_198 = arith.constant -1.000000e+00 : f32
      %broadcast_in_dim3A_199 = vector.broadcast %jit3A_198 : f32 to vector<1024x1xf32>
      %select_n3A_200 = arith.select %eq3A_197, %get3A_185, %broadcast_in_dim3A_199 : vector<1024x1xi1>, vector<1024x1xf32>
      %gt3A = vector.broadcast %select_n3A_200 : vector<1024x1xf32> to vector<1024x512xf32>
      %gt3A_201 = vector.broadcast %broadcast_in_dim3A : vector<1x512xf32> to vector<1024x512xf32>
      %gt3A_202 = arith.cmpf ogt, %gt3A, %gt3A_201 : vector<1024x512xf32>
      %eq3A_203 = vector.broadcast %select_n3A_200 : vector<1024x1xf32> to vector<1024x512xf32>
      %eq3A_204 = vector.broadcast %broadcast_in_dim3A : vector<1x512xf32> to vector<1024x512xf32>
      %eq3A_205 = arith.cmpf oeq, %eq3A_203, %eq3A_204 : vector<1024x512xf32>
      %lt3A = vector.broadcast %add3A_194 : vector<1024x1xi32> to vector<1024x512xi32>
      %lt3A_206 = vector.broadcast %broadcast_in_dim3A_9 : vector<1x512xi32> to vector<1024x512xi32>
      %lt3A_207 = arith.cmpi slt, %lt3A, %lt3A_206 : vector<1024x512xi32>
      %and3A_208 = arith.andi %eq3A_205, %lt3A_207 : vector<1024x512xi1>
      %or3A_209 = arith.ori %gt3A_202, %and3A_208 : vector<1024x512xi1>
      %convert_element_type3A_210 = arith.extui %or3A_209 : vector<1024x512xi1> to vector<1024x512xi32>
      %reduce_sum3A_211 = arith.constant dense<0> : vector<512xi32>
      %reduce_sum3A_212 = vector.multi_reduction <add>, %convert_element_type3A_210, %reduce_sum3A_211 [0] : vector<1024x512xi32> to vector<512xi32>
      %broadcast_in_dim3A_213 = vector.shape_cast %reduce_sum3A_212 : vector<512xi32> to vector<1x512xi32>
      %add3A_214 = arith.addi %scan3A_176, %broadcast_in_dim3A_213 : vector<1x512xi32>
      %eq3A_215 = arith.constant 2 : i32
      %eq3A_216 = vector.broadcast %eq3A_215 : i32 to vector<1024x1xi32>
      %eq3A_217 = arith.cmpi eq, %get3A_190, %eq3A_216 : vector<1024x1xi32>
      %jit3A_218 = arith.constant -1.000000e+00 : f32
      %broadcast_in_dim3A_219 = vector.broadcast %jit3A_218 : f32 to vector<1024x1xf32>
      %select_n3A_220 = arith.select %eq3A_217, %get3A_185, %broadcast_in_dim3A_219 : vector<1024x1xi1>, vector<1024x1xf32>
      %gt3A_221 = vector.broadcast %select_n3A_220 : vector<1024x1xf32> to vector<1024x512xf32>
      %gt3A_222 = vector.broadcast %broadcast_in_dim3A_18 : vector<1x512xf32> to vector<1024x512xf32>
      %gt3A_223 = arith.cmpf ogt, %gt3A_221, %gt3A_222 : vector<1024x512xf32>
      %eq3A_224 = vector.broadcast %select_n3A_220 : vector<1024x1xf32> to vector<1024x512xf32>
      %eq3A_225 = vector.broadcast %broadcast_in_dim3A_18 : vector<1x512xf32> to vector<1024x512xf32>
      %eq3A_226 = arith.cmpf oeq, %eq3A_224, %eq3A_225 : vector<1024x512xf32>
      %lt3A_227 = vector.broadcast %add3A_194 : vector<1024x1xi32> to vector<1024x512xi32>
      %lt3A_228 = vector.broadcast %broadcast_in_dim3A_26 : vector<1x512xi32> to vector<1024x512xi32>
      %lt3A_229 = arith.cmpi slt, %lt3A_227, %lt3A_228 : vector<1024x512xi32>
      %and3A_230 = arith.andi %eq3A_226, %lt3A_229 : vector<1024x512xi1>
      %or3A_231 = arith.ori %gt3A_223, %and3A_230 : vector<1024x512xi1>
      %convert_element_type3A_232 = arith.extui %or3A_231 : vector<1024x512xi1> to vector<1024x512xi32>
      %reduce_sum3A_233 = arith.constant dense<0> : vector<512xi32>
      %reduce_sum3A_234 = vector.multi_reduction <add>, %convert_element_type3A_232, %reduce_sum3A_233 [0] : vector<1024x512xi32> to vector<512xi32>
      %broadcast_in_dim3A_235 = vector.shape_cast %reduce_sum3A_234 : vector<512xi32> to vector<1x512xi32>
      %add3A_236 = arith.addi %scan3A_177, %broadcast_in_dim3A_235 : vector<1x512xi32>
      %eq3A_237 = arith.constant 3 : i32
      %eq3A_238 = vector.broadcast %eq3A_237 : i32 to vector<1024x1xi32>
      %eq3A_239 = arith.cmpi eq, %get3A_190, %eq3A_238 : vector<1024x1xi32>
      %jit3A_240 = arith.constant -1.000000e+00 : f32
      %broadcast_in_dim3A_241 = vector.broadcast %jit3A_240 : f32 to vector<1024x1xf32>
      %select_n3A_242 = arith.select %eq3A_239, %get3A_185, %broadcast_in_dim3A_241 : vector<1024x1xi1>, vector<1024x1xf32>
      %gt3A_243 = vector.broadcast %select_n3A_242 : vector<1024x1xf32> to vector<1024x512xf32>
      %gt3A_244 = vector.broadcast %broadcast_in_dim3A_35 : vector<1x512xf32> to vector<1024x512xf32>
      %gt3A_245 = arith.cmpf ogt, %gt3A_243, %gt3A_244 : vector<1024x512xf32>
      %eq3A_246 = vector.broadcast %select_n3A_242 : vector<1024x1xf32> to vector<1024x512xf32>
      %eq3A_247 = vector.broadcast %broadcast_in_dim3A_35 : vector<1x512xf32> to vector<1024x512xf32>
      %eq3A_248 = arith.cmpf oeq, %eq3A_246, %eq3A_247 : vector<1024x512xf32>
      %lt3A_249 = vector.broadcast %add3A_194 : vector<1024x1xi32> to vector<1024x512xi32>
      %lt3A_250 = vector.broadcast %broadcast_in_dim3A_43 : vector<1x512xi32> to vector<1024x512xi32>
      %lt3A_251 = arith.cmpi slt, %lt3A_249, %lt3A_250 : vector<1024x512xi32>
      %and3A_252 = arith.andi %eq3A_248, %lt3A_251 : vector<1024x512xi1>
      %or3A_253 = arith.ori %gt3A_245, %and3A_252 : vector<1024x512xi1>
      %convert_element_type3A_254 = arith.extui %or3A_253 : vector<1024x512xi1> to vector<1024x512xi32>
      %reduce_sum3A_255 = arith.constant dense<0> : vector<512xi32>
      %reduce_sum3A_256 = vector.multi_reduction <add>, %convert_element_type3A_254, %reduce_sum3A_255 [0] : vector<1024x512xi32> to vector<512xi32>
      %broadcast_in_dim3A_257 = vector.shape_cast %reduce_sum3A_256 : vector<512xi32> to vector<1x512xi32>
      %add3A_258 = arith.addi %scan3A_178, %broadcast_in_dim3A_257 : vector<1x512xi32>
      %eq3A_259 = arith.constant 1 : i32
      %eq3A_260 = vector.broadcast %eq3A_259 : i32 to vector<1024x1xi32>
      %eq3A_261 = arith.cmpi eq, %get3A_190, %eq3A_260 : vector<1024x1xi32>
      %convert_element_type3A_262 = arith.extui %eq3A_261 : vector<1024x1xi1> to vector<1024x1xi32>
      %reduce_sum3A_263 = vector.shape_cast %convert_element_type3A_262 : vector<1024x1xi32> to vector<1x1024x1xi32>
      %reduce_sum3A_264 = arith.constant dense<0> : vector<1xi32>
      %reduce_sum3A_265 = vector.multi_reduction <add>, %reduce_sum3A_263, %reduce_sum3A_264 [1, 2] : vector<1x1024x1xi32> to vector<1xi32>
      %reduce_sum3A_266 = vector.shape_cast %reduce_sum3A_265 : vector<1xi32> to vector<1x1x1xi32>
      %reduce_sum3A_267 = vector.extract %reduce_sum3A_266[0, 0, 0] : i32 from vector<1x1x1xi32>
      %add3A_268 = arith.addi %scan3A_179, %reduce_sum3A_267 : i32
      %eq3A_269 = arith.constant 2 : i32
      %eq3A_270 = vector.broadcast %eq3A_269 : i32 to vector<1024x1xi32>
      %eq3A_271 = arith.cmpi eq, %get3A_190, %eq3A_270 : vector<1024x1xi32>
      %convert_element_type3A_272 = arith.extui %eq3A_271 : vector<1024x1xi1> to vector<1024x1xi32>
      %reduce_sum3A_273 = vector.shape_cast %convert_element_type3A_272 : vector<1024x1xi32> to vector<1x1024x1xi32>
      %reduce_sum3A_274 = arith.constant dense<0> : vector<1xi32>
      %reduce_sum3A_275 = vector.multi_reduction <add>, %reduce_sum3A_273, %reduce_sum3A_274 [1, 2] : vector<1x1024x1xi32> to vector<1xi32>
      %reduce_sum3A_276 = vector.shape_cast %reduce_sum3A_275 : vector<1xi32> to vector<1x1x1xi32>
      %reduce_sum3A_277 = vector.extract %reduce_sum3A_276[0, 0, 0] : i32 from vector<1x1x1xi32>
      %add3A_278 = arith.addi %scan3A_180, %reduce_sum3A_277 : i32
      %eq3A_279 = arith.constant 3 : i32
      %eq3A_280 = vector.broadcast %eq3A_279 : i32 to vector<1024x1xi32>
      %eq3A_281 = arith.cmpi eq, %get3A_190, %eq3A_280 : vector<1024x1xi32>
      %convert_element_type3A_282 = arith.extui %eq3A_281 : vector<1024x1xi1> to vector<1024x1xi32>
      %reduce_sum3A_283 = vector.shape_cast %convert_element_type3A_282 : vector<1024x1xi32> to vector<1x1024x1xi32>
      %reduce_sum3A_284 = arith.constant dense<0> : vector<1xi32>
      %reduce_sum3A_285 = vector.multi_reduction <add>, %reduce_sum3A_283, %reduce_sum3A_284 [1, 2] : vector<1x1024x1xi32> to vector<1xi32>
      %reduce_sum3A_286 = vector.shape_cast %reduce_sum3A_285 : vector<1xi32> to vector<1x1x1xi32>
      %reduce_sum3A_287 = vector.extract %reduce_sum3A_286[0, 0, 0] : i32 from vector<1x1x1xi32>
      %add3A_288 = arith.addi %scan3A_181, %reduce_sum3A_287 : i32
      scf.yield %add3A_214, %add3A_236, %add3A_258, %add3A_268, %add3A_278, %add3A_288 : vector<1x512xi32>, vector<1x512xi32>, vector<1x512xi32>, i32, i32, i32
    }
    %scan3A_53 = arith.constant 20 : i32
    %eq3A_54 = arith.constant 1073741824 : i32
    %eq3A_55 = vector.broadcast %eq3A_54 : i32 to vector<1x512xi32>
    %eq3A_56 = arith.cmpi eq, %broadcast_in_dim3A_9, %eq3A_55 : vector<1x512xi32>
    %jit3A_57 = arith.constant 1073741824 : i32
    %broadcast_in_dim3A_58 = vector.broadcast %jit3A_57 : i32 to vector<1x512xi32>
    %select_n3A_59 = arith.select %eq3A_56, %broadcast_in_dim3A_58, %scan3A_52#0 : vector<1x512xi1>, vector<1x512xi32>
    %eq3A_60 = arith.constant 1073741824 : i32
    %eq3A_61 = vector.broadcast %eq3A_60 : i32 to vector<1x512xi32>
    %eq3A_62 = arith.cmpi eq, %broadcast_in_dim3A_26, %eq3A_61 : vector<1x512xi32>
    %jit3A_63 = arith.constant 1073741824 : i32
    %broadcast_in_dim3A_64 = vector.broadcast %jit3A_63 : i32 to vector<1x512xi32>
    %select_n3A_65 = arith.select %eq3A_62, %broadcast_in_dim3A_64, %scan3A_52#1 : vector<1x512xi1>, vector<1x512xi32>
    %eq3A_66 = arith.constant 1073741824 : i32
    %eq3A_67 = vector.broadcast %eq3A_66 : i32 to vector<1x512xi32>
    %eq3A_68 = arith.cmpi eq, %broadcast_in_dim3A_43, %eq3A_67 : vector<1x512xi32>
    %jit3A_69 = arith.constant 1073741824 : i32
    %broadcast_in_dim3A_70 = vector.broadcast %jit3A_69 : i32 to vector<1x512xi32>
    %select_n3A_71 = arith.select %eq3A_68, %broadcast_in_dim3A_70, %scan3A_52#2 : vector<1x512xi1>, vector<1x512xi32>
    %get3A_72 = arith.constant 0 : index
    %get3A_73 = arith.constant 0 : index
    %get3A_74 = vector.load %arg2[%get3A_72, %get3A_73] : memref<512x1xf32, #tpu.memory_space<vmem>>, vector<512x1xf32>
    %eq3A_75 = arith.constant 1.000000e+00 : f32
    %eq3A_76 = vector.broadcast %eq3A_75 : f32 to vector<512x1xf32>
    %eq3A_77 = arith.cmpf oeq, %get3A_74, %eq3A_76 : vector<512x1xf32>
    %convert_element_type3A = arith.extui %eq3A_77 : vector<512x1xi1> to vector<512x1xi32>
    %convert_element_type3A_78 = arith.sitofp %convert_element_type3A : vector<512x1xi32> to vector<512x1xf32>
    %reduce_sum3A = vector.shape_cast %convert_element_type3A_78 : vector<512x1xf32> to vector<1x512x1xf32>
    %reduce_sum3A_79 = arith.constant dense<0.000000e+00> : vector<1xf32>
    %reduce_sum3A_80 = vector.multi_reduction <add>, %reduce_sum3A, %reduce_sum3A_79 [1, 2] : vector<1x512x1xf32> to vector<1xf32>
    %reduce_sum3A_81 = vector.shape_cast %reduce_sum3A_80 : vector<1xf32> to vector<1x1x1xf32>
    %reduce_sum3A_82 = vector.extract %reduce_sum3A_81[0, 0, 0] : f32 from vector<1x1x1xf32>
    %eq3A_83 = arith.constant 2.000000e+00 : f32
    %eq3A_84 = vector.broadcast %eq3A_83 : f32 to vector<512x1xf32>
    %eq3A_85 = arith.cmpf oeq, %get3A_74, %eq3A_84 : vector<512x1xf32>
    %convert_element_type3A_86 = arith.extui %eq3A_85 : vector<512x1xi1> to vector<512x1xi32>
    %convert_element_type3A_87 = arith.sitofp %convert_element_type3A_86 : vector<512x1xi32> to vector<512x1xf32>
    %reduce_sum3A_88 = vector.shape_cast %convert_element_type3A_87 : vector<512x1xf32> to vector<1x512x1xf32>
    %reduce_sum3A_89 = arith.constant dense<0.000000e+00> : vector<1xf32>
    %reduce_sum3A_90 = vector.multi_reduction <add>, %reduce_sum3A_88, %reduce_sum3A_89 [1, 2] : vector<1x512x1xf32> to vector<1xf32>
    %reduce_sum3A_91 = vector.shape_cast %reduce_sum3A_90 : vector<1xf32> to vector<1x1x1xf32>
    %reduce_sum3A_92 = vector.extract %reduce_sum3A_91[0, 0, 0] : f32 from vector<1x1x1xf32>
    %eq3A_93 = arith.constant 3.000000e+00 : f32
    %eq3A_94 = vector.broadcast %eq3A_93 : f32 to vector<512x1xf32>
    %eq3A_95 = arith.cmpf oeq, %get3A_74, %eq3A_94 : vector<512x1xf32>
    %convert_element_type3A_96 = arith.extui %eq3A_95 : vector<512x1xi1> to vector<512x1xi32>
    %convert_element_type3A_97 = arith.sitofp %convert_element_type3A_96 : vector<512x1xi32> to vector<512x1xf32>
    %reduce_sum3A_98 = vector.shape_cast %convert_element_type3A_97 : vector<512x1xf32> to vector<1x512x1xf32>
    %reduce_sum3A_99 = arith.constant dense<0.000000e+00> : vector<1xf32>
    %reduce_sum3A_100 = vector.multi_reduction <add>, %reduce_sum3A_98, %reduce_sum3A_99 [1, 2] : vector<1x512x1xf32> to vector<1xf32>
    %reduce_sum3A_101 = vector.shape_cast %reduce_sum3A_100 : vector<1xf32> to vector<1x1x1xf32>
    %reduce_sum3A_102 = vector.extract %reduce_sum3A_101[0, 0, 0] : f32 from vector<1x1x1xf32>
    %max3A = arith.maxsi %scan3A_52#4, %scan3A_52#5 : i32
    %max3A_103 = arith.maxsi %scan3A_52#3, %max3A : i32
    %add3A = arith.constant 1024 : i32
    %add3A_104 = arith.addi %max3A_103, %add3A : i32
    %sub3A = arith.constant 1 : i32
    %sub3A_105 = arith.subi %add3A_104, %sub3A : i32
    %jit3A_106 = arith.constant 1024 : i32
    %div3A = arith.divsi %sub3A_105, %jit3A_106 : i32
    %sign3A = arith.constant 0 : i32
    %sign3A_107 = arith.cmpi sgt, %sub3A_105, %sign3A : i32
    %sign3A_108 = arith.extui %sign3A_107 : i1 to i32
    %sign3A_109 = arith.constant 0 : i32
    %sign3A_110 = arith.cmpi slt, %sub3A_105, %sign3A_109 : i32
    %sign3A_111 = arith.extui %sign3A_110 : i1 to i32
    %sign3A_112 = arith.subi %sign3A_108, %sign3A_111 : i32
    %sign3A_113 = arith.constant 0 : i32
    %sign3A_114 = arith.cmpi sgt, %jit3A_106, %sign3A_113 : i32
    %sign3A_115 = arith.extui %sign3A_114 : i1 to i32
    %sign3A_116 = arith.constant 0 : i32
    %sign3A_117 = arith.cmpi slt, %jit3A_106, %sign3A_116 : i32
    %sign3A_118 = arith.extui %sign3A_117 : i1 to i32
    %sign3A_119 = arith.subi %sign3A_115, %sign3A_118 : i32
    %ne3A = arith.cmpi ne, %sign3A_112, %sign3A_119 : i32
    %rem3A = arith.remsi %sub3A_105, %jit3A_106 : i32
    %ne3A_120 = arith.constant 0 : i32
    %ne3A_121 = arith.cmpi ne, %rem3A, %ne3A_120 : i32
    %and3A = arith.andi %ne3A, %ne3A_121 : i1
    %sub3A_122 = arith.constant 1 : i32
    %sub3A_123 = arith.subi %div3A, %sub3A_122 : i32
    %select_n3A_124 = arith.select %and3A, %sub3A_123, %div3A : i32
    %min3A = arith.constant 20 : i32
    %min3A_125 = arith.minsi %select_n3A_124, %min3A : i32
    %while3A = arith.constant 0 : i32
    %while3A_126 = arith.constant 0.000000e+00 : f32
    %while3A_127 = arith.constant 0.000000e+00 : f32
    %while3A_128 = arith.constant 0.000000e+00 : f32
    %while3A_129 = arith.subi %min3A_125, %while3A : i32
    %while3A_130 = arith.addi %while3A, %while3A_129 : i32
    %while3A_131 = arith.constant 1 : i32
    %while3A_132 = arith.divsi %while3A_129, %while3A_131 : i32
    %while3A_133 = arith.muli %while3A_132, %while3A_131 : i32
    %while3A_134 = arith.addi %while3A, %while3A_133 : i32
    %while3A_135 = arith.constant 1 : i32
    %while3A_136:3 = scf.for %while3A_175 = %while3A to %while3A_134 step %while3A_135 iter_args(%while3A_176 = %while3A_126, %while3A_177 = %while3A_127, %while3A_178 = %while3A_128) -> (f32, f32, f32)  : i32 {
      %iota3A = tpu.iota {dimensions = array<i32: 0>} : vector<1024x1xi32>
      %mul3A = arith.constant 1024 : i32
      %mul3A_179 = arith.muli %while3A_175, %mul3A : i32
      %add3A_180 = vector.broadcast %mul3A_179 : i32 to vector<1024x1xi32>
      %add3A_181 = arith.addi %iota3A, %add3A_180 : vector<1024x1xi32>
      %le3A = vector.broadcast %select_n3A_59 : vector<1x512xi32> to vector<1024x512xi32>
      %le3A_182 = vector.broadcast %add3A_181 : vector<1024x1xi32> to vector<1024x512xi32>
      %le3A_183 = arith.cmpi sle, %le3A, %le3A_182 : vector<1024x512xi32>
      %convert_element_type3A_184 = arith.extui %le3A_183 : vector<1024x512xi1> to vector<1024x512xi32>
      %convert_element_type3A_185 = arith.sitofp %convert_element_type3A_184 : vector<1024x512xi32> to vector<1024x512xf32>
      %reduce_sum3A_186 = arith.constant dense<0.000000e+00> : vector<1024xf32>
      %reduce_sum3A_187 = vector.multi_reduction <add>, %convert_element_type3A_185, %reduce_sum3A_186 [1] : vector<1024x512xf32> to vector<1024xf32>
      %broadcast_in_dim3A_188 = vector.shape_cast %reduce_sum3A_187 : vector<1024xf32> to vector<1024x1xf32>
      %add3A_189 = arith.constant 1 : i32
      %add3A_190 = vector.broadcast %add3A_189 : i32 to vector<1024x1xi32>
      %add3A_191 = arith.addi %add3A_181, %add3A_190 : vector<1024x1xi32>
      %convert_element_type3A_192 = arith.sitofp %add3A_191 : vector<1024x1xi32> to vector<1024x1xf32>
      %sub3A_193 = arith.subf %convert_element_type3A_192, %broadcast_in_dim3A_188 : vector<1024x1xf32>
      %add3A_194 = arith.addf %broadcast_in_dim3A_188, %sub3A_193 : vector<1024x1xf32>
      %add3A_195 = arith.constant 9.99999974E-6 : f32
      %add3A_196 = vector.broadcast %add3A_195 : f32 to vector<1024x1xf32>
      %add3A_197 = arith.addf %add3A_194, %add3A_196 : vector<1024x1xf32>
      %div3A_198 = arith.divf %broadcast_in_dim3A_188, %add3A_197 : vector<1024x1xf32>
      %add3A_199 = arith.constant 9.99999974E-6 : f32
      %add3A_200 = arith.addf %reduce_sum3A_82, %add3A_199 : f32
      %div3A_201 = vector.broadcast %add3A_200 : f32 to vector<1024x1xf32>
      %div3A_202 = arith.divf %sub3A_193, %div3A_201 : vector<1024x1xf32>
      %lt3A = vector.broadcast %scan3A_52#3 : i32 to vector<1024x1xi32>
      %lt3A_203 = arith.cmpi slt, %add3A_181, %lt3A : vector<1024x1xi32>
      %div3A_204 = arith.divf %div3A_198, %div3A_202 : vector<1024x1xf32>
      %jit3A_205 = arith.constant 0.000000e+00 : f32
      %broadcast_in_dim3A_206 = vector.broadcast %jit3A_205 : f32 to vector<1024x1xf32>
      %select_n3A_207 = arith.select %lt3A_203, %div3A_204, %broadcast_in_dim3A_206 : vector<1024x1xi1>, vector<1024x1xf32>
      %reduce_sum3A_208 = vector.shape_cast %select_n3A_207 : vector<1024x1xf32> to vector<1x1024x1xf32>
      %reduce_sum3A_209 = arith.constant dense<0.000000e+00> : vector<1xf32>
      %reduce_sum3A_210 = vector.multi_reduction <add>, %reduce_sum3A_208, %reduce_sum3A_209 [1, 2] : vector<1x1024x1xf32> to vector<1xf32>
      %reduce_sum3A_211 = vector.shape_cast %reduce_sum3A_210 : vector<1xf32> to vector<1x1x1xf32>
      %reduce_sum3A_212 = vector.extract %reduce_sum3A_211[0, 0, 0] : f32 from vector<1x1x1xf32>
      %add3A_213 = arith.addf %while3A_176, %reduce_sum3A_212 : f32
      %le3A_214 = vector.broadcast %select_n3A_65 : vector<1x512xi32> to vector<1024x512xi32>
      %le3A_215 = vector.broadcast %add3A_181 : vector<1024x1xi32> to vector<1024x512xi32>
      %le3A_216 = arith.cmpi sle, %le3A_214, %le3A_215 : vector<1024x512xi32>
      %convert_element_type3A_217 = arith.extui %le3A_216 : vector<1024x512xi1> to vector<1024x512xi32>
      %convert_element_type3A_218 = arith.sitofp %convert_element_type3A_217 : vector<1024x512xi32> to vector<1024x512xf32>
      %reduce_sum3A_219 = arith.constant dense<0.000000e+00> : vector<1024xf32>
      %reduce_sum3A_220 = vector.multi_reduction <add>, %convert_element_type3A_218, %reduce_sum3A_219 [1] : vector<1024x512xf32> to vector<1024xf32>
      %broadcast_in_dim3A_221 = vector.shape_cast %reduce_sum3A_220 : vector<1024xf32> to vector<1024x1xf32>
      %add3A_222 = arith.constant 1 : i32
      %add3A_223 = vector.broadcast %add3A_222 : i32 to vector<1024x1xi32>
      %add3A_224 = arith.addi %add3A_181, %add3A_223 : vector<1024x1xi32>
      %convert_element_type3A_225 = arith.sitofp %add3A_224 : vector<1024x1xi32> to vector<1024x1xf32>
      %sub3A_226 = arith.subf %convert_element_type3A_225, %broadcast_in_dim3A_221 : vector<1024x1xf32>
      %add3A_227 = arith.addf %broadcast_in_dim3A_221, %sub3A_226 : vector<1024x1xf32>
      %add3A_228 = arith.constant 9.99999974E-6 : f32
      %add3A_229 = vector.broadcast %add3A_228 : f32 to vector<1024x1xf32>
      %add3A_230 = arith.addf %add3A_227, %add3A_229 : vector<1024x1xf32>
      %div3A_231 = arith.divf %broadcast_in_dim3A_221, %add3A_230 : vector<1024x1xf32>
      %add3A_232 = arith.constant 9.99999974E-6 : f32
      %add3A_233 = arith.addf %reduce_sum3A_92, %add3A_232 : f32
      %div3A_234 = vector.broadcast %add3A_233 : f32 to vector<1024x1xf32>
      %div3A_235 = arith.divf %sub3A_226, %div3A_234 : vector<1024x1xf32>
      %lt3A_236 = vector.broadcast %scan3A_52#4 : i32 to vector<1024x1xi32>
      %lt3A_237 = arith.cmpi slt, %add3A_181, %lt3A_236 : vector<1024x1xi32>
      %div3A_238 = arith.divf %div3A_231, %div3A_235 : vector<1024x1xf32>
      %jit3A_239 = arith.constant 0.000000e+00 : f32
      %broadcast_in_dim3A_240 = vector.broadcast %jit3A_239 : f32 to vector<1024x1xf32>
      %select_n3A_241 = arith.select %lt3A_237, %div3A_238, %broadcast_in_dim3A_240 : vector<1024x1xi1>, vector<1024x1xf32>
      %reduce_sum3A_242 = vector.shape_cast %select_n3A_241 : vector<1024x1xf32> to vector<1x1024x1xf32>
      %reduce_sum3A_243 = arith.constant dense<0.000000e+00> : vector<1xf32>
      %reduce_sum3A_244 = vector.multi_reduction <add>, %reduce_sum3A_242, %reduce_sum3A_243 [1, 2] : vector<1x1024x1xf32> to vector<1xf32>
      %reduce_sum3A_245 = vector.shape_cast %reduce_sum3A_244 : vector<1xf32> to vector<1x1x1xf32>
      %reduce_sum3A_246 = vector.extract %reduce_sum3A_245[0, 0, 0] : f32 from vector<1x1x1xf32>
      %add3A_247 = arith.addf %while3A_177, %reduce_sum3A_246 : f32
      %le3A_248 = vector.broadcast %select_n3A_71 : vector<1x512xi32> to vector<1024x512xi32>
      %le3A_249 = vector.broadcast %add3A_181 : vector<1024x1xi32> to vector<1024x512xi32>
      %le3A_250 = arith.cmpi sle, %le3A_248, %le3A_249 : vector<1024x512xi32>
      %convert_element_type3A_251 = arith.extui %le3A_250 : vector<1024x512xi1> to vector<1024x512xi32>
      %convert_element_type3A_252 = arith.sitofp %convert_element_type3A_251 : vector<1024x512xi32> to vector<1024x512xf32>
      %reduce_sum3A_253 = arith.constant dense<0.000000e+00> : vector<1024xf32>
      %reduce_sum3A_254 = vector.multi_reduction <add>, %convert_element_type3A_252, %reduce_sum3A_253 [1] : vector<1024x512xf32> to vector<1024xf32>
      %broadcast_in_dim3A_255 = vector.shape_cast %reduce_sum3A_254 : vector<1024xf32> to vector<1024x1xf32>
      %add3A_256 = arith.constant 1 : i32
      %add3A_257 = vector.broadcast %add3A_256 : i32 to vector<1024x1xi32>
      %add3A_258 = arith.addi %add3A_181, %add3A_257 : vector<1024x1xi32>
      %convert_element_type3A_259 = arith.sitofp %add3A_258 : vector<1024x1xi32> to vector<1024x1xf32>
      %sub3A_260 = arith.subf %convert_element_type3A_259, %broadcast_in_dim3A_255 : vector<1024x1xf32>
      %add3A_261 = arith.addf %broadcast_in_dim3A_255, %sub3A_260 : vector<1024x1xf32>
      %add3A_262 = arith.constant 9.99999974E-6 : f32
      %add3A_263 = vector.broadcast %add3A_262 : f32 to vector<1024x1xf32>
      %add3A_264 = arith.addf %add3A_261, %add3A_263 : vector<1024x1xf32>
      %div3A_265 = arith.divf %broadcast_in_dim3A_255, %add3A_264 : vector<1024x1xf32>
      %add3A_266 = arith.constant 9.99999974E-6 : f32
      %add3A_267 = arith.addf %reduce_sum3A_102, %add3A_266 : f32
      %div3A_268 = vector.broadcast %add3A_267 : f32 to vector<1024x1xf32>
      %div3A_269 = arith.divf %sub3A_260, %div3A_268 : vector<1024x1xf32>
      %lt3A_270 = vector.broadcast %scan3A_52#5 : i32 to vector<1024x1xi32>
      %lt3A_271 = arith.cmpi slt, %add3A_181, %lt3A_270 : vector<1024x1xi32>
      %div3A_272 = arith.divf %div3A_265, %div3A_269 : vector<1024x1xf32>
      %jit3A_273 = arith.constant 0.000000e+00 : f32
      %broadcast_in_dim3A_274 = vector.broadcast %jit3A_273 : f32 to vector<1024x1xf32>
      %select_n3A_275 = arith.select %lt3A_271, %div3A_272, %broadcast_in_dim3A_274 : vector<1024x1xi1>, vector<1024x1xf32>
      %reduce_sum3A_276 = vector.shape_cast %select_n3A_275 : vector<1024x1xf32> to vector<1x1024x1xf32>
      %reduce_sum3A_277 = arith.constant dense<0.000000e+00> : vector<1xf32>
      %reduce_sum3A_278 = vector.multi_reduction <add>, %reduce_sum3A_276, %reduce_sum3A_277 [1, 2] : vector<1x1024x1xf32> to vector<1xf32>
      %reduce_sum3A_279 = vector.shape_cast %reduce_sum3A_278 : vector<1xf32> to vector<1x1x1xf32>
      %reduce_sum3A_280 = vector.extract %reduce_sum3A_279[0, 0, 0] : f32 from vector<1x1x1xf32>
      %add3A_281 = arith.addf %while3A_178, %reduce_sum3A_280 : f32
      scf.yield %add3A_213, %add3A_247, %add3A_281 : f32, f32, f32
    }
    %while3A_137 = arith.constant 1 : i32
    %while3A_138:3 = scf.for %while3A_175 = %while3A_134 to %while3A_130 step %while3A_137 iter_args(%while3A_176 = %while3A_136#0, %while3A_177 = %while3A_136#1, %while3A_178 = %while3A_136#2) -> (f32, f32, f32)  : i32 {
      %iota3A = tpu.iota {dimensions = array<i32: 0>} : vector<1024x1xi32>
      %mul3A = arith.constant 1024 : i32
      %mul3A_179 = arith.muli %while3A_175, %mul3A : i32
      %add3A_180 = vector.broadcast %mul3A_179 : i32 to vector<1024x1xi32>
      %add3A_181 = arith.addi %iota3A, %add3A_180 : vector<1024x1xi32>
      %le3A = vector.broadcast %select_n3A_59 : vector<1x512xi32> to vector<1024x512xi32>
      %le3A_182 = vector.broadcast %add3A_181 : vector<1024x1xi32> to vector<1024x512xi32>
      %le3A_183 = arith.cmpi sle, %le3A, %le3A_182 : vector<1024x512xi32>
      %convert_element_type3A_184 = arith.extui %le3A_183 : vector<1024x512xi1> to vector<1024x512xi32>
      %convert_element_type3A_185 = arith.sitofp %convert_element_type3A_184 : vector<1024x512xi32> to vector<1024x512xf32>
      %reduce_sum3A_186 = arith.constant dense<0.000000e+00> : vector<1024xf32>
      %reduce_sum3A_187 = vector.multi_reduction <add>, %convert_element_type3A_185, %reduce_sum3A_186 [1] : vector<1024x512xf32> to vector<1024xf32>
      %broadcast_in_dim3A_188 = vector.shape_cast %reduce_sum3A_187 : vector<1024xf32> to vector<1024x1xf32>
      %add3A_189 = arith.constant 1 : i32
      %add3A_190 = vector.broadcast %add3A_189 : i32 to vector<1024x1xi32>
      %add3A_191 = arith.addi %add3A_181, %add3A_190 : vector<1024x1xi32>
      %convert_element_type3A_192 = arith.sitofp %add3A_191 : vector<1024x1xi32> to vector<1024x1xf32>
      %sub3A_193 = arith.subf %convert_element_type3A_192, %broadcast_in_dim3A_188 : vector<1024x1xf32>
      %add3A_194 = arith.addf %broadcast_in_dim3A_188, %sub3A_193 : vector<1024x1xf32>
      %add3A_195 = arith.constant 9.99999974E-6 : f32
      %add3A_196 = vector.broadcast %add3A_195 : f32 to vector<1024x1xf32>
      %add3A_197 = arith.addf %add3A_194, %add3A_196 : vector<1024x1xf32>
      %div3A_198 = arith.divf %broadcast_in_dim3A_188, %add3A_197 : vector<1024x1xf32>
      %add3A_199 = arith.constant 9.99999974E-6 : f32
      %add3A_200 = arith.addf %reduce_sum3A_82, %add3A_199 : f32
      %div3A_201 = vector.broadcast %add3A_200 : f32 to vector<1024x1xf32>
      %div3A_202 = arith.divf %sub3A_193, %div3A_201 : vector<1024x1xf32>
      %lt3A = vector.broadcast %scan3A_52#3 : i32 to vector<1024x1xi32>
      %lt3A_203 = arith.cmpi slt, %add3A_181, %lt3A : vector<1024x1xi32>
      %div3A_204 = arith.divf %div3A_198, %div3A_202 : vector<1024x1xf32>
      %jit3A_205 = arith.constant 0.000000e+00 : f32
      %broadcast_in_dim3A_206 = vector.broadcast %jit3A_205 : f32 to vector<1024x1xf32>
      %select_n3A_207 = arith.select %lt3A_203, %div3A_204, %broadcast_in_dim3A_206 : vector<1024x1xi1>, vector<1024x1xf32>
      %reduce_sum3A_208 = vector.shape_cast %select_n3A_207 : vector<1024x1xf32> to vector<1x1024x1xf32>
      %reduce_sum3A_209 = arith.constant dense<0.000000e+00> : vector<1xf32>
      %reduce_sum3A_210 = vector.multi_reduction <add>, %reduce_sum3A_208, %reduce_sum3A_209 [1, 2] : vector<1x1024x1xf32> to vector<1xf32>
      %reduce_sum3A_211 = vector.shape_cast %reduce_sum3A_210 : vector<1xf32> to vector<1x1x1xf32>
      %reduce_sum3A_212 = vector.extract %reduce_sum3A_211[0, 0, 0] : f32 from vector<1x1x1xf32>
      %add3A_213 = arith.addf %while3A_176, %reduce_sum3A_212 : f32
      %le3A_214 = vector.broadcast %select_n3A_65 : vector<1x512xi32> to vector<1024x512xi32>
      %le3A_215 = vector.broadcast %add3A_181 : vector<1024x1xi32> to vector<1024x512xi32>
      %le3A_216 = arith.cmpi sle, %le3A_214, %le3A_215 : vector<1024x512xi32>
      %convert_element_type3A_217 = arith.extui %le3A_216 : vector<1024x512xi1> to vector<1024x512xi32>
      %convert_element_type3A_218 = arith.sitofp %convert_element_type3A_217 : vector<1024x512xi32> to vector<1024x512xf32>
      %reduce_sum3A_219 = arith.constant dense<0.000000e+00> : vector<1024xf32>
      %reduce_sum3A_220 = vector.multi_reduction <add>, %convert_element_type3A_218, %reduce_sum3A_219 [1] : vector<1024x512xf32> to vector<1024xf32>
      %broadcast_in_dim3A_221 = vector.shape_cast %reduce_sum3A_220 : vector<1024xf32> to vector<1024x1xf32>
      %add3A_222 = arith.constant 1 : i32
      %add3A_223 = vector.broadcast %add3A_222 : i32 to vector<1024x1xi32>
      %add3A_224 = arith.addi %add3A_181, %add3A_223 : vector<1024x1xi32>
      %convert_element_type3A_225 = arith.sitofp %add3A_224 : vector<1024x1xi32> to vector<1024x1xf32>
      %sub3A_226 = arith.subf %convert_element_type3A_225, %broadcast_in_dim3A_221 : vector<1024x1xf32>
      %add3A_227 = arith.addf %broadcast_in_dim3A_221, %sub3A_226 : vector<1024x1xf32>
      %add3A_228 = arith.constant 9.99999974E-6 : f32
      %add3A_229 = vector.broadcast %add3A_228 : f32 to vector<1024x1xf32>
      %add3A_230 = arith.addf %add3A_227, %add3A_229 : vector<1024x1xf32>
      %div3A_231 = arith.divf %broadcast_in_dim3A_221, %add3A_230 : vector<1024x1xf32>
      %add3A_232 = arith.constant 9.99999974E-6 : f32
      %add3A_233 = arith.addf %reduce_sum3A_92, %add3A_232 : f32
      %div3A_234 = vector.broadcast %add3A_233 : f32 to vector<1024x1xf32>
      %div3A_235 = arith.divf %sub3A_226, %div3A_234 : vector<1024x1xf32>
      %lt3A_236 = vector.broadcast %scan3A_52#4 : i32 to vector<1024x1xi32>
      %lt3A_237 = arith.cmpi slt, %add3A_181, %lt3A_236 : vector<1024x1xi32>
      %div3A_238 = arith.divf %div3A_231, %div3A_235 : vector<1024x1xf32>
      %jit3A_239 = arith.constant 0.000000e+00 : f32
      %broadcast_in_dim3A_240 = vector.broadcast %jit3A_239 : f32 to vector<1024x1xf32>
      %select_n3A_241 = arith.select %lt3A_237, %div3A_238, %broadcast_in_dim3A_240 : vector<1024x1xi1>, vector<1024x1xf32>
      %reduce_sum3A_242 = vector.shape_cast %select_n3A_241 : vector<1024x1xf32> to vector<1x1024x1xf32>
      %reduce_sum3A_243 = arith.constant dense<0.000000e+00> : vector<1xf32>
      %reduce_sum3A_244 = vector.multi_reduction <add>, %reduce_sum3A_242, %reduce_sum3A_243 [1, 2] : vector<1x1024x1xf32> to vector<1xf32>
      %reduce_sum3A_245 = vector.shape_cast %reduce_sum3A_244 : vector<1xf32> to vector<1x1x1xf32>
      %reduce_sum3A_246 = vector.extract %reduce_sum3A_245[0, 0, 0] : f32 from vector<1x1x1xf32>
      %add3A_247 = arith.addf %while3A_177, %reduce_sum3A_246 : f32
      %le3A_248 = vector.broadcast %select_n3A_71 : vector<1x512xi32> to vector<1024x512xi32>
      %le3A_249 = vector.broadcast %add3A_181 : vector<1024x1xi32> to vector<1024x512xi32>
      %le3A_250 = arith.cmpi sle, %le3A_248, %le3A_249 : vector<1024x512xi32>
      %convert_element_type3A_251 = arith.extui %le3A_250 : vector<1024x512xi1> to vector<1024x512xi32>
      %convert_element_type3A_252 = arith.sitofp %convert_element_type3A_251 : vector<1024x512xi32> to vector<1024x512xf32>
      %reduce_sum3A_253 = arith.constant dense<0.000000e+00> : vector<1024xf32>
      %reduce_sum3A_254 = vector.multi_reduction <add>, %convert_element_type3A_252, %reduce_sum3A_253 [1] : vector<1024x512xf32> to vector<1024xf32>
      %broadcast_in_dim3A_255 = vector.shape_cast %reduce_sum3A_254 : vector<1024xf32> to vector<1024x1xf32>
      %add3A_256 = arith.constant 1 : i32
      %add3A_257 = vector.broadcast %add3A_256 : i32 to vector<1024x1xi32>
      %add3A_258 = arith.addi %add3A_181, %add3A_257 : vector<1024x1xi32>
      %convert_element_type3A_259 = arith.sitofp %add3A_258 : vector<1024x1xi32> to vector<1024x1xf32>
      %sub3A_260 = arith.subf %convert_element_type3A_259, %broadcast_in_dim3A_255 : vector<1024x1xf32>
      %add3A_261 = arith.addf %broadcast_in_dim3A_255, %sub3A_260 : vector<1024x1xf32>
      %add3A_262 = arith.constant 9.99999974E-6 : f32
      %add3A_263 = vector.broadcast %add3A_262 : f32 to vector<1024x1xf32>
      %add3A_264 = arith.addf %add3A_261, %add3A_263 : vector<1024x1xf32>
      %div3A_265 = arith.divf %broadcast_in_dim3A_255, %add3A_264 : vector<1024x1xf32>
      %add3A_266 = arith.constant 9.99999974E-6 : f32
      %add3A_267 = arith.addf %reduce_sum3A_102, %add3A_266 : f32
      %div3A_268 = vector.broadcast %add3A_267 : f32 to vector<1024x1xf32>
      %div3A_269 = arith.divf %sub3A_260, %div3A_268 : vector<1024x1xf32>
      %lt3A_270 = vector.broadcast %scan3A_52#5 : i32 to vector<1024x1xi32>
      %lt3A_271 = arith.cmpi slt, %add3A_181, %lt3A_270 : vector<1024x1xi32>
      %div3A_272 = arith.divf %div3A_265, %div3A_269 : vector<1024x1xf32>
      %jit3A_273 = arith.constant 0.000000e+00 : f32
      %broadcast_in_dim3A_274 = vector.broadcast %jit3A_273 : f32 to vector<1024x1xf32>
      %select_n3A_275 = arith.select %lt3A_271, %div3A_272, %broadcast_in_dim3A_274 : vector<1024x1xi1>, vector<1024x1xf32>
      %reduce_sum3A_276 = vector.shape_cast %select_n3A_275 : vector<1024x1xf32> to vector<1x1024x1xf32>
      %reduce_sum3A_277 = arith.constant dense<0.000000e+00> : vector<1xf32>
      %reduce_sum3A_278 = vector.multi_reduction <add>, %reduce_sum3A_276, %reduce_sum3A_277 [1, 2] : vector<1x1024x1xf32> to vector<1xf32>
      %reduce_sum3A_279 = vector.shape_cast %reduce_sum3A_278 : vector<1xf32> to vector<1x1x1xf32>
      %reduce_sum3A_280 = vector.extract %reduce_sum3A_279[0, 0, 0] : f32 from vector<1x1x1xf32>
      %add3A_281 = arith.addf %while3A_178, %reduce_sum3A_280 : f32
      scf.yield %add3A_213, %add3A_247, %add3A_281 : f32, f32, f32
    }
    %eq3A_139 = arith.constant 0 : i32
    %eq3A_140 = arith.cmpi eq, %scan3A_52#3, %eq3A_139 : i32
    %eq3A_141 = arith.constant 0.000000e+00 : f32
    %eq3A_142 = arith.cmpf oeq, %reduce_sum3A_82, %eq3A_141 : f32
    %or3A = arith.ori %eq3A_140, %eq3A_142 : i1
    %convert_element_type3A_143 = arith.sitofp %scan3A_52#3 : i32 to f32
    %div3A_144 = arith.divf %while3A_138#0, %convert_element_type3A_143 : f32
    %jit3A_145 = arith.constant 0.000000e+00 : f32
    %select_n3A_146 = arith.select %or3A, %jit3A_145, %div3A_144 : f32
    %eq3A_147 = arith.constant 0 : i32
    %eq3A_148 = arith.cmpi eq, %scan3A_52#4, %eq3A_147 : i32
    %eq3A_149 = arith.constant 0.000000e+00 : f32
    %eq3A_150 = arith.cmpf oeq, %reduce_sum3A_92, %eq3A_149 : f32
    %or3A_151 = arith.ori %eq3A_148, %eq3A_150 : i1
    %convert_element_type3A_152 = arith.sitofp %scan3A_52#4 : i32 to f32
    %div3A_153 = arith.divf %while3A_138#1, %convert_element_type3A_152 : f32
    %jit3A_154 = arith.constant 0.000000e+00 : f32
    %select_n3A_155 = arith.select %or3A_151, %jit3A_154, %div3A_153 : f32
    %eq3A_156 = arith.constant 0 : i32
    %eq3A_157 = arith.cmpi eq, %scan3A_52#5, %eq3A_156 : i32
    %eq3A_158 = arith.constant 0.000000e+00 : f32
    %eq3A_159 = arith.cmpf oeq, %reduce_sum3A_102, %eq3A_158 : f32
    %or3A_160 = arith.ori %eq3A_157, %eq3A_159 : i1
    %convert_element_type3A_161 = arith.sitofp %scan3A_52#5 : i32 to f32
    %div3A_162 = arith.divf %while3A_138#2, %convert_element_type3A_161 : f32
    %jit3A_163 = arith.constant 0.000000e+00 : f32
    %select_n3A_164 = arith.select %or3A_160, %jit3A_163, %div3A_162 : f32
    %add3A_165 = arith.addf %select_n3A_146, %select_n3A_155 : f32
    %add3A_166 = arith.addf %add3A_165, %select_n3A_164 : f32
    %div3A_167 = arith.constant 3.000000e+00 : f32
    %div3A_168 = arith.divf %add3A_166, %div3A_167 : f32
    %broadcast_in_dim3A_169 = arith.constant 0.000000e+00 : f32
    %broadcast_in_dim3A_170 = vector.broadcast %broadcast_in_dim3A_169 : f32 to vector<1x1xf32>
    %add3A_171 = vector.broadcast %div3A_168 : f32 to vector<1x1xf32>
    %add3A_172 = arith.addf %add3A_171, %broadcast_in_dim3A_170 : vector<1x1xf32>
    %swap3A = arith.constant 0 : index
    %swap3A_173 = arith.constant 0 : index
    %swap3A_174 = vector.load %arg5[%swap3A, %swap3A_173] : memref<1x1xf32, #tpu.memory_space<vmem>>, vector<1x1xf32>
    tpu.vector_store %arg5[%swap3A, %swap3A_173], %add3A_172 {strides = array<i32>} : memref<1x1xf32, #tpu.memory_space<vmem>>, vector<1x1xf32>,
    return
  }
}

</mosaic_0001>

<sc_bundles>
// kernel: kernel.5.cloned.1.call-start
scs
__scs_entry_jumppad:
0x0: {  	(pc) =	sbr.rel $0x88, $3  }
0x1: {  	(tag) =	ssettag $0x0;
	lr =	simm.s32 $0x1  }
0x2: {  	[smem:$0x3F9D] =	sst lr;
	_ =	strace $0xD0000000  }
0x3: {  	_ = 	snop  }
0x4: {  	_ = 	snop  }
0x5: {  	_ = 	snop  }
0x6: {  	_ = 	snop  }
0x7: {  	_ = 	snop  }
__scs_overlays_trampoline_lowered:
0x8: {  	[smem:$0x3FAC] =	sst s0  }
0x9: {  	[smem:$0x3FAD] =	sst s1  }
0xa: {  	[smem:$0x3FAE] =	sst s2  }
0xb: {  	[smem:$0x3FAF] =	sst s3  }
0xc: {  	[smem:$0x3FB0] =	sst s4  }
0xd: {  	[smem:$0x3FB1] =	sst s5  }
0xe: {  	[smem:$0x3FB2] =	sst s6  }
0xf: {  	[smem:$0x3FB3] =	sst s7  }
0x10: {  	[smem:$0x3FB4] =	sst s8  }
0x11: {  	[smem:$0x3FB5] =	sst s9;
	s0 =	simm.s32 @!p0 $0x0  }
0x12: {  	s1 =	sld [smem:$0x3F9B];
	s0 =	simm.s32 @p0 $0x1  }
0x13: {  	[smem:$0x3FB6] =	sst s0;
	s0 =	simm.s32 @!p1 $0x0  }
0x14: {  	s2 =	sld [smem:$0x3F9A];
	s0 =	simm.s32 @p1 $0x1  }
0x15: {  	[smem:$0x3FB7] =	sst s0;
	s0 =	simm.s32 @!p2 $0x0  }
0x16: {  	s3 =	sld [smem:$0x3FDB];
	s0 =	simm.s32 @p2 $0x1  }
0x17: {  	s4 =	simm.s32 $0x1BF5;
	[smem:$0x3FB9] =	sst s0  }
0x18: {  	s0 =	sld [smem:$0x3F9C];
	_ =	swait.ge [sflag:s4], $0x0  }
0x19: {  	s7 =	sld [smem:$0x3F9D]  }
0x1a: {  	s8 =	sadd.s32 $0xFFFFE003, lr  }
0x1b: {  	s9 =	sadd.s32 $0xFFFFFEF7, lr;
	s5 =	simm.s32 $0xFFFFFFFF;
	p2 =	slt.u32 s8, $0xFFFFF086  }
0x1c: {  	p1 =	slt.u32 s9, $0xF7A;
	s5 =	simm.s32 @!p2 $0x0  }
0x1d: {  	s5 =	simm.s32 @p1 $0x1;
	p0 =	seq.s32 s7, s2  }
0x1e: {  	s7 =	smul.u32 @!p0 $0xF7A, s2;
	p2 =	seq.s32 @!p0 s5, $0x0  }
0x1f: {  	s9 =	smul.u32 $0xF7A, s1;
	s8 =	simm.s32 @!p0 $0x1BF5;
	p2 =	por !p2, p0  }
0x20: {  	[sflag:s8] =	ssyncset.s32 @!p0 $0xFFFFF086;
	s6 =	sadd.s32 @!p0 s3, s7;
	s7 =	simm.s32 @!p0 $0x108  }
0x21: {  	s3 =	sadd.s32 s3, s9;
	s6 =	sadd.s32 @!p0 $0x88, s6;
	s7 =	simm.s32 @p2 $0x1082  }
0x22: {  	[simem:s7], [sflag:s8] =	dma.local @!p0 [hbm:s6], $0xF7A  }
0x23: {  	s9 =	sor.u32 $0xD0000000, s2;
	s6 =	simm.s32 $0x108;
	_ =	swait.ge @!p0 [sflag:s8], $0x0  }
0x24: {  	s3 =	sadd.s32 $0x88, s3;
	s6 =	simm.s32 @!p1 $0x1082;
	[sflag:s4] =	ssyncset.s32 $0xFFFFF086  }
0x25: {  	[simem:s6], [sflag:s4] =	dma.local [hbm:s3], $0xF7A  }
0x26: {  	[smem:$0x3F9D] =	sst s1;
	(tag) =	ssettag s2;
	_ =	strace s9  }
0x27: {  	s1 =	sld [smem:$0x3FAD]  }
0x28: {  	s2 =	sld [smem:$0x3FAE]  }
0x29: {  	s4 =	sld [smem:$0x3FB0]  }
0x2a: {  	p0 =	seq.s32 s5, $0x0;
	s5 =	sld [smem:$0x3FB1]  }
0x2b: {  	s6 =	sld [smem:$0x3FB2]  }
0x2c: {  	s7 =	sld [smem:$0x3FB3]  }
0x2d: {  	s3 =	simm.s32 $0x108;
	s8 =	sld [smem:$0x3FB4]  }
0x2e: {  	s3 =	simm.s32 @!p0 $0x1082;
	s9 =	sld [smem:$0x3FB5]  }
0x2f: {  	lr =	sadd.s32 s0, s3;
	s0 =	sld [smem:$0x3FAC]  }
0x30: {  	s3 =	sld [smem:$0x3FAF]  }
0x31: {  	[smem:$0x3FB8] =	sst s10  }
0x32: {  	s10 =	sld [smem:$0x3FB6];
	_ =	sdelay $0x3  }
0x33: {  	p0 =	seq.s32 s10, $0x1;
	s10 =	sld [smem:$0x3FB8];
	_ =	sdelay $0x3  }
0x34: {  	[smem:$0x3FB8] =	sst s10  }
0x35: {  	s10 =	sld [smem:$0x3FB7];
	_ =	sdelay $0x3  }
0x36: {  	p1 =	seq.s32 s10, $0x1;
	s10 =	sld [smem:$0x3FB8];
	_ =	sdelay $0x3  }
0x37: {  	[smem:$0x3FB8] =	sst s10  }
0x38: {  	s10 =	sld [smem:$0x3FB9]  }
0x39: {  	_ = 	snop;
	(pc) =	sbr.ind lr, $3  }
0x3a: {  	_ = 	snop  }
0x3b: {  	_ = 	snop  }
0x3c: {  	p2 =	seq.s32 s10, $0x1;
	s10 =	sld [smem:$0x3FB8]  }
0x3d: {  	_ =	shalt  }
0x3e: {  	_ =	shalt  }
0x3f: {  	_ =	shalt  }
0x40: {  	_ =	shalt  }
0x41: {  	_ =	shalt  }
0x42: {  	_ =	shalt  }
0x43: {  	_ =	shalt  }
0x44: {  	_ =	shalt  }
0x45: {  	_ =	shalt  }
0x46: {  	_ =	shalt  }
0x47: {  	_ =	shalt  }
0x48: {  	_ =	shalt  }
0x49: {  	_ =	shalt  }
0x4a: {  	_ =	shalt  }
0x4b: {  	_ =	shalt  }
0x4c: {  	_ =	shalt  }
0x4d: {  	_ =	shalt  }
0x4e: {  	_ =	shalt  }
0x4f: {  	_ =	shalt  }
0x50: {  	_ =	shalt  }
0x51: {  	_ =	shalt  }
0x52: {  	_ =	shalt  }
0x53: {  	_ =	shalt  }
0x54: {  	_ =	shalt  }
0x55: {  	_ =	shalt  }
0x56: {  	_ =	shalt  }
0x57: {  	_ =	shalt  }
0x58: {  	_ =	shalt  }
0x59: {  	_ =	shalt  }
0x5a: {  	_ =	shalt  }
0x5b: {  	_ =	shalt  }
0x5c: {  	_ =	shalt  }
0x5d: {  	_ =	shalt  }
0x5e: {  	_ =	shalt  }
0x5f: {  	_ =	shalt  }
0x60: {  	_ =	shalt  }
0x61: {  	_ =	shalt  }
0x62: {  	_ =	shalt  }
0x63: {  	_ =	shalt  }
0x64: {  	_ =	shalt  }
0x65: {  	_ =	shalt  }
0x66: {  	_ =	shalt  }
0x67: {  	_ =	shalt  }
0x68: {  	_ =	shalt  }
0x69: {  	_ =	shalt  }
0x6a: {  	_ =	shalt  }
0x6b: {  	_ =	shalt  }
0x6c: {  	_ =	shalt  }
0x6d: {  	_ =	shalt  }
0x6e: {  	_ =	shalt  }
0x6f: {  	_ =	shalt  }
0x70: {  	_ =	shalt  }
0x71: {  	_ =	shalt  }
0x72: {  	_ =	shalt  }
0x73: {  	_ =	shalt  }
0x74: {  	_ =	shalt  }
0x75: {  	_ =	shalt  }
0x76: {  	_ =	shalt  }
0x77: {  	_ =	shalt  }
0x78: {  	_ =	shalt  }
0x79: {  	_ =	shalt  }
0x7a: {  	_ =	shalt  }
0x7b: {  	_ =	shalt  }
0x7c: {  	_ =	shalt  }
0x7d: {  	_ =	shalt  }
0x7e: {  	_ =	shalt  }
0x7f: {  	_ =	shalt  }
0x80: {  	_ =	shalt  }
0x81: {  	_ =	shalt  }
0x82: {  	_ =	shalt  }
0x83: {  	_ =	shalt  }
0x84: {  	_ =	shalt  }
0x85: {  	_ =	shalt  }
0x86: {  	_ =	shalt  }
0x87: {  	_ =	shalt  }
.Lfunc_end0:
.L_simem_size_0:
called_computation_lowered:
.L_overlay_start_0:
0x88: {  	s2 =	sld [smem:$0x3FD9]  }
0x89: {  	s3 =	sld [smem:$0x3FFE];
	_ =	sdelay $0x1  }
0x8a: {  	s1 =	srdreg.scid  }
0x8b: {  	s0 =	sand.u32 $0x1, s1  }
0x8c: {  	s16 =	sshll.u32 s0, $0xA;
	s2 =	sadd.s32 s3, s2  }
0x8d: {  	s2 =	sadd.s32 s2, s16  }
0x8e: {  	[smem:$0x3FC4] =	sst s2  }
0x8f: {  	_ = 	snop  }
0x90: {  	(tm) =	ssettm $0x1  }
0x91: {  	s17 =	sld [smem:$0x3FFB];
	_ =	sdelay $0x3  }
0x92: {  	_ =	strace s17  }
0x93: {  	s2 =	sld [smem:$0x3FFC];
	_ =	sdelay $0x3  }
0x94: {  	_ =	strace s2  }
0x95: {  	s2 =	sld [smem:$0x3FFD];
	_ =	sdelay $0x3  }
0x96: {  	_ =	strace s2  }
0x97: {  	_ =	strace $0x8FFFFFFF  }
0x98: {  	s18 =	sld [smem:$0x3FDB];
	_ =	sdelay $0x1  }
0x99: {  	s19 =	simm.s32 $_scs_section_size  }
0x9a: {  	s4 =	simm.s32 $_size__tile_overlayer_lowered;
	s5 =	simm.s32 $_tile_overlayer_lowered  }
0x9b: {  	s22 =	simm.s32 $0x1BFF;
	s21 =	sshll.u32 s5, $0x1;
	s2 =	sadd.s32 s19, s18  }
0x9c: {  	s6 =	simm.s32 $0x0;
	s20 =	sshll.u32 s4, $0x1;
	s4 =	sadd.s32 s21, s2  }
0x9d: {  	[timem:s6], [sflag:s22] =	dma.local [hbm:s4], s20  }
0x9e: {  	_ =	swait.ge [sflag:s22], s20  }
0x9f: {  	s3 =	ssub.s32 $0x0, s20;
	[sflag:s22] =	ssyncset.done $0x0  }
0xa0: {  	[sflag:s22] =	ssyncadd.s32 s3;
	_ =	sdelay $0x1  }
0xa1: {  	s23 =	simm.s32 $0x1B8B  }
0xa2: {  	_ =	swait.ge [sflag:s23], $0x1  }
0xa3: {  	[sflag:s23] =	ssyncset.done $0x0  }
0xa4: {  	s25 =	simm.s32 $0x1B8E;
	s24 =	sld [smem:$0x3FFE];
	[sflag:s23] =	ssyncadd.s32 $0xFFFFFFFF  }
0xa5: {  	s26 =	simm.s32 $execute0_lowered;
	[smem:$0x3FD2] =	sst s25  }
0xa6: {  	s4 =	sshll.u32 s26, $0x1;
	_ =	strace $0x80000046;
	[dreg:$0x1] =	wrdreg $0xFFFFFFFF  }
0xa7: {  	s28 =	simm.s32 $_size_execute0_lowered;
	s2 =	sadd.s32 s2, s4;
	[dreg:$0x0] =	wrdreg $0x0  }
0xa8: {  	s4 =	sshll.u32 s28, $0x1;
	[dreg:$0x2] =	wrdreg s2  }
0xa9: {  	[dreg:$0x3] =	wrdreg s4  }
0xaa: {  	[dreg:$0x4] =	wrdreg $0xC0  }
0xab: {  	_ =	task [dreg:s6], $0x5FFFF  }
0xac: {  	[dreg:$0x1] =	wrdreg $0xFFFFFFFF  }
0xad: {  	[dreg:$0x0] =	wrdreg $0x60  }
0xae: {  	[dreg:$0x2] =	wrdreg s24  }
0xaf: {  	[dreg:$0x3] =	wrdreg $0x9  }
0xb0: {  	_ =	task.clear_ibuf [dreg:s6], $0x4FFFF;
	_ =	strace $0x90000046  }
0xb1: {  	s29 =	simm.s32 $0x9;
	_ =	strace $0x80000048  }
0xb2: {  	_ =	swait.ge [sflag:s29], $0x1  }
0xb3: {  	[sflag:s29] =	ssyncadd.s32 $0xFFFFFFFF  }
0xb4: {  	_ =	strace $0x90000048  }
0xb5: {  	_ =	sfence  }
0xb6: {  	s30 =	sld [smem:$0x0];
	_ =	sdelay $0x2  }
0xb7: {  	s31 =	sshll.u32 s1, $0xD;
	s1 =	sshrl.u32 s1, $0x2  }
0xb8: {  	s3 =	sand.u32 $0x4000, s31;
	s1 =	sadd.s32 s1, s30  }
0xb9: {  	s0 =	sor.u32 s3, s0;
	s1 =	sshll.u32 s1, $0x11  }
0xba: {  	s0 =	sor.u32 s1, s0  }
0xbb: {  	s0 =	sadd.s32 $0x8F2B, s0  }
0xbc: {  	[sflag:s0] =	ssyncadd.remote.s32 $0x1  }
0xbd: {  	_ =	sfence.sel $0xFFFF  }
0xbe: {  	[dreg:$0x0] =	wrdreg $0xFFFFFFFF;
	(pc) =	sbr.abs _section_cstart, $3  }
0xbf: {  	[dreg:$0x1] =	wrdreg $0xFFFFFFFF  }
0xc0: {  	_ =	task.clear_ibuf [dreg:s6], $0x2FFFF;
	_ =	strace $0x9FFFFFFF  }
0xc1: {  	(tm) =	ssettm $0x7FFFFFFF  }
tec
execute0_lowered:
.L_overlay_start_1:
0x0: {  	(tag) =	ssettag $0x1  }
0x1: {  	s1 =	srdreg.scid;
	s0 =	stileid.u32  }
0x2: {  	s4 =	rddreg [dreg:$0x0];
	s10 =	simm.s32 $0x280;
	s11 =	simm.s32 $0x500  }
0x3: {  	s12 =	simm.s32 $0xB00;
	s13 =	simm.s32 $0x80;
	s14 =	simm.s32 $0x400  }
0x4: {  	s15 =	simm.s32 $0x0;
	s5 =	sand.u32 $0x1, s1;
	s2 =	sshll.u32 s0, $0x1  }
0x5: {  	s1 =	rddreg [dreg:$0x1];
	s6 =	sshrl.u32 s0, $0x2;
	s3 =	sor.u32 s5, s2  }
0x6: {  	s2 =	simm.s32 $0x0;
	s6 =	smul.u32 $0x3000, s6;
	s7 =	sshll.u32 s3, $0x7  }
0x7: {  	s5 =	ssub.s32 $0x2, s5;
	s3 =	smul.u32 $0x280, s3;
	s7 =	sand.u32 $0x380, s7  }
.Ltmp0:
0x8: {  	[smem:$0x7FF] =	sst s2;
	s6 =	sor.u32 s6, s7;
	(pc) =	sbr.rel .LBB2_1-.Ltmp0, $4  }
0x9: {  	s31 =	sshrl.u32 s5, $0x1;
	s30 =	sshrl.u32 s3, $0x3;
	s6 =	sshrl.u32 s6, $0x3  }
0xa: {  	_ =	strace $0x80000047;
	s8 =	sadd.s32 s6, s4;
	s4 =	sadd.s32 s4, s30  }
0xb: {  	v0 =	vimm.f32 $-1.000000000e+00;
	s9 =	ssub.s32 s5, s31;
	s5 =	sadd.s32 $0xA00, s4;
	s6 =	sadd.s32 $0x1400, s8  }
0xc: {  	v1 =	vimm.s32 $0x40000000;
	v2 =	vimm.s32 $0x0;
	v3 =	vlaneseq.u32;
	s7 =	sadd.s32 $0x2C00, s8;
	s8 =	smax.u32 s9, $0x1;
	s9 =	simm.s32 $0x1  }
.LBB2_13:
0xd: {  	[hbm4b:s6+s13] =	stream.strided.scatter [tilespmem:s11], [sflag:$0x1], $0x600, s14, s13, $0x38;
	[tilespmem:$0x1100] =	vst v63  }
0xe: {  	s15 =	sadd.s32 $0x1, s15;
	_ =	swait.ge [sflag:s9], $0x600  }
0xf: {  	p0 =	sne.s32 s15, s8;
	[sflag:s9] =	ssyncset.done $0x0  }
.Ltmp1:
0x10: {  	[sflag:s9] =	ssyncadd.s32 $0xFFFFFA00;
	(pc) =	sbr.rel @!p0 .LBB2_14-.Ltmp1, $4  }
0x11: {  	[hbm4b:s7+s13] =	stream.strided.scatter [tilespmem:s12], [sflag:$0x1], $0x600, s14, s13, $0x38;
	[tilespmem:$0x1100] =	vst v63  }
0x12: {  	_ =	swait.ge [sflag:s9], $0x600  }
0x13: {  	[sflag:s9] =	ssyncset.done $0x0  }
0x14: {  	[sflag:s9] =	ssyncadd.s32 $0xFFFFFA00  }
.LBB2_1:
0x15: {  	[tilespmem:s2], [sflag:$0x1] =	stream.linear.gather [hbm4b:s5+s2], $0x280, $0x38;
	[tilespmem:$0x1100] =	vst v63  }
0x16: {  	_ =	swait.ge [sflag:s9], $0x280  }
0x17: {  	[sflag:s9] =	ssyncset.done $0x0  }
0x18: {  	[sflag:s9] =	ssyncadd.s32 $0xFFFFFD80  }
0x19: {  	[tilespmem:s10], [sflag:$0x1] =	stream.linear.gather [hbm4b:s4+s2], $0x280, $0x38;
	[tilespmem:$0x1100] =	vst v63  }
0x1a: {  	_ =	swait.ge [sflag:s9], $0x280  }
0x1b: {  	[sflag:s9] =	ssyncset.done $0x0  }
0x1c: {  	s16 =	simm.s32 $0x0;
	[sflag:s9] =	ssyncadd.s32 $0xFFFFFD80  }
.LBB2_2:
0x1d: {  	p0 =	sne.s32 s16, $0x17C0  }
.Ltmp2:
0x1e: {  	_ = 	snop;
	(pc) =	sbr.rel @p0 .LBB2_2-.Ltmp2, $4  }
0x1f: {  	_ = 	snop  }
0x20: {  	s17 =	sshra.s32 s16, $0x2  }
0x21: {  	[tilespmem:s17+$0x500] =	vst v0  }
0x22: {  	s16 =	sadd.s32 $0x40, s16;
	[tilespmem:s17+$0xB00] =	vst v1  }
.Ltmp3:
0x23: {  	(pc) =	sbr.rel .LBB2_4-.Ltmp3, $2  }
0x24: {  	_ =	sdelay $0x2  }
0x25: {  	s16 =	simm.s32 $0x0  }
.LBB2_7:
0x26: {  	s16 =	sadd.s32 $0x1, s16  }
0x27: {  	p0 =	sne.s32 s16, $0x28  }
.Ltmp4:
0x28: {  	_ = 	snop;
	(pc) =	sbr.rel @!p0 .LBB2_8-.Ltmp4, $1  }
0x29: {  	_ =	sdelay $0x3  }
.LBB2_4:
0x2a: {  	s17 =	sshll.u32 s16, $0x4  }
0x2b: {  	v5 =	vld [tilespmem:s17+$0x0];
	_ =	sdelay $0x4  }
0x2c: {  	vm0 =	vlt.s32 v5, $0x600  }
0x2d: {  	v4 =	vsel vm0, $0x1, v2  }
0x2e: {  	v4 =	vor.u32 $0x80000000, v4  }
0x2f: {  	(xrf0) =	vmax.scan.msk.u32 $0xffff, v4;
	_ =	sdelay $0x5  }
0x30: {  	v4, _, _ =	vpop (xrf0)  }
0x31: {  	(v2sf) =	vpush v4, $0xF;
	_ =	sdelay $0xe  }
0x32: {  	s18 =	spop (v2sf)  }
0x33: {  	p0 =	slt.u32 s18, $0x80000001  }
.Ltmp5:
0x34: {  	_ = 	snop;
	(pc) =	sbr.rel @p0 .LBB2_7-.Ltmp5, $2  }
0x35: {  	_ =	sdelay $0x2  }
0x36: {  	v4 =	vld [tilespmem:s17+$0x280]  }
0x37: {  	v5 =	vnsel vm0, $0x0, v5  }
.LBB2_6:
0x38: {  	v6 =	vld.idx.msk [tilespmem:v5+s11+$0x0], $0xffff;
	_ =	sdelay $0x4  }
0x39: {  	vm1 =	vgt.f32 v4, v6  }
0x3a: {  	vm1 =	vmand vm0, vm1;
	_ =	sdelay $0x5  }
0x3b: {  	[tilespmem:v5+s11+$0x0] =	vst.idx.msk vm1, v4  }
0x3c: {  	v6 =	vld.idx.msk [tilespmem:v5+s11+$0x0], $0xffff;
	_ =	sdelay $0x4  }
0x3d: {  	vm1 =	vgt.f32 v4, v6  }
0x3e: {  	vm0 =	vmand vm0, vm1  }
0x3f: {  	v6 =	vsel vm0, $0x1, v2  }
0x40: {  	v6 =	vor.u32 $0x80000000, v6  }
0x41: {  	(xrf0) =	vmax.scan.msk.u32 $0xffff, v6;
	_ =	sdelay $0x5  }
0x42: {  	v6, _, _ =	vpop (xrf0)  }
0x43: {  	(v2sf) =	vpush v6, $0xF;
	_ =	sdelay $0xe  }
0x44: {  	s17 =	spop (v2sf)  }
0x45: {  	p0 =	sgt.u32 s17, $0x80000000  }
.Ltmp6:
0x46: {  	_ = 	snop;
	(pc) =	sbr.rel @p0 .LBB2_6-.Ltmp6, $1  }
0x47: {  	_ =	sdelay $0x3  }
.Ltmp7:
0x48: {  	_ = 	snop;
	(pc) =	sbr.rel .LBB2_7-.Ltmp7, $1  }
0x49: {  	_ =	sdelay $0x3  }
.LBB2_8:
.Ltmp8:
0x4a: {  	(pc) =	sbr.rel .LBB2_9-.Ltmp8, $2  }
0x4b: {  	_ =	sdelay $0x2  }
0x4c: {  	s16 =	simm.s32 $0x0  }
.LBB2_12:
0x4d: {  	s16 =	sadd.s32 $0x1, s16  }
0x4e: {  	p0 =	sne.s32 s16, $0x28  }
.Ltmp9:
0x4f: {  	_ = 	snop;
	(pc) =	sbr.rel @!p0 .LBB2_13-.Ltmp9, $1  }
0x50: {  	_ =	sdelay $0x3  }
.LBB2_9:
0x51: {  	s17 =	sshll.u32 s16, $0x4  }
0x52: {  	v4 =	vld [tilespmem:s17+$0x0];
	_ =	sdelay $0x4  }
0x53: {  	vm0 =	vlt.s32 v4, $0x600  }
0x54: {  	v4 =	vnsel vm0, $0x0, v4;
	_ =	sdelay $0x3  }
0x55: {  	v5 =	vld [tilespmem:s17+$0x280]  }
0x56: {  	v6 =	vld.idx.msk [tilespmem:v4+s11+$0x0], $0xffff;
	_ =	sdelay $0x4  }
0x57: {  	vm1 =	veq.f32 v5, v6  }
0x58: {  	vm0 =	vmand vm0, vm1  }
0x59: {  	v5 =	vsel vm0, $0x1, v2  }
0x5a: {  	v5 =	vor.u32 $0x80000000, v5  }
0x5b: {  	(xrf0) =	vmax.scan.msk.u32 $0xffff, v5;
	_ =	sdelay $0x5  }
0x5c: {  	v5, _, _ =	vpop (xrf0)  }
0x5d: {  	(v2sf) =	vpush v5, $0xF;
	_ =	sdelay $0xe  }
0x5e: {  	s18 =	spop (v2sf)  }
0x5f: {  	p0 =	slt.u32 s18, $0x80000001  }
.Ltmp10:
0x60: {  	_ = 	snop;
	(pc) =	sbr.rel @p0 .LBB2_12-.Ltmp10, $1  }
0x61: {  	_ =	sdelay $0x3  }
0x62: {  	s17 =	sadd.s32 s3, s17  }
0x63: {  	v5 =	vor.u32 s17, v3  }
.LBB2_11:
0x64: {  	v6 =	vld.idx.msk [tilespmem:v4+s12+$0x0], $0xffff;
	_ =	sdelay $0x4  }
0x65: {  	vm1 =	vlt.s32 v5, v6  }
0x66: {  	vm1 =	vmand vm0, vm1;
	_ =	sdelay $0x5  }
0x67: {  	[tilespmem:v4+s12+$0x0] =	vst.idx.msk vm1, v5  }
0x68: {  	v6 =	vld.idx.msk [tilespmem:v4+s12+$0x0], $0xffff;
	_ =	sdelay $0x4  }
0x69: {  	vm1 =	vlt.s32 v5, v6  }
0x6a: {  	vm0 =	vmand vm0, vm1  }
0x6b: {  	v6 =	vsel vm0, $0x1, v2  }
0x6c: {  	v6 =	vor.u32 $0x80000000, v6  }
0x6d: {  	(xrf0) =	vmax.scan.msk.u32 $0xffff, v6;
	_ =	sdelay $0x5  }
0x6e: {  	v6, _, _ =	vpop (xrf0)  }
0x6f: {  	(v2sf) =	vpush v6, $0xF;
	_ =	sdelay $0xe  }
0x70: {  	s17 =	spop (v2sf)  }
0x71: {  	p0 =	sgt.u32 s17, $0x80000000  }
.Ltmp11:
0x72: {  	_ = 	snop;
	(pc) =	sbr.rel @p0 .LBB2_11-.Ltmp11, $1  }
0x73: {  	_ =	sdelay $0x3  }
.Ltmp12:
0x74: {  	_ = 	snop;
	(pc) =	sbr.rel .LBB2_12-.Ltmp12, $1  }
0x75: {  	_ =	sdelay $0x3  }
.LBB2_14:
0x76: {  	_ =	sfence.sel $0x180000  }
0x77: {  	[bflag:$0x0] =	sbarrier.arrive $0xFFFF  }
0x78: {  	p0 =	sne.s32 s0, $0x0;
	_ =	strace $0x90000047  }
0x79: {  	s0 =	sadd.s32 @!p0 $0x100000, s1;
	[bflag:$0x2] =	sbarrier.arrive $0xFFFF  }
0x7a: {  	[sflag:s0] =	ssyncadd.tile.s32 @!p0 $0x1;
	_ =	shalt  }
.Lfunc_end2:
_tile_overlayer_lowered:
.L_overlay_start_2:
0x7b: {  	(tag) =	ssettag $0x2  }
0x7c: {  	s0 =	rddreg [dreg:$0x0];
	s2 =	stileid.u32  }
0x7d: {  	s1 =	rddreg [dreg:$0x1];
	p0 =	sne.s32 s2, $0x0  }
0x7e: {  	s3 =	rddreg [dreg:$0x2];
	[bflag:$0x3] =	sbarrier.arrive $0xFFFF;
	s2 =	simm.s32 @!p0 $0x1C01  }
0x7f: {  	[timem:s3], [sflag:s2] =	dma.local @!p0 [hbm:s0], s1  }
0x80: {  	s0 =	simm.s32 @!p0 $0x1  }
0x81: {  	_ =	swait.ge @!p0 [sflag:s0], s1  }
0x82: {  	s1 =	ssub.s32 @!p0 $0x0, s1;
	[sflag:s0] =	ssyncset.done @!p0 $0x0  }
0x83: {  	[sflag:s0] =	ssyncadd.s32 @!p0 s1  }
0x84: {  	[bflag:$0x3] =	sbarrier.arrive $0xFFFF  }
0x85: {  	_ =	shalt  }

</sc_bundles>
